<compile_context>
chip_gen: v7x
topology: tpu7x:2x2x1
jax: 0.10.2.dev20260603
libtpu: 0.0.44.dev20260713+nightly
codegen_flags: <defaults>
</compile_context>

<pallas_src>
import jax
import jax.numpy as jnp
from jax import lax
from jax.experimental import pallas as pl
from jax.experimental.pallas import tpu as pltpu
from jax.experimental.pallas import tpu_sc as plsc

C = 8
N = 128 ** 3
B = N // 4
DECAY = 0.95

NP = 4
JQ = B // NP
SUB = 8192
NBLK = JQ // SUB
NBKT = 64
CAP = 192

SLAB = 32768
NSLAB = 16
QN = N // 4


def _body(mem_hbm, idx_hbm, val_hbm,
          out_hbm, tbin_hbm, vbin_hbm, cnt_hbm,
          ibuf, vbuf, stg_t, stg_v, cnts, mslab, vslab, bint, binv, cntp,
          dsem):
    wid = lax.axis_index("core") * 16 + lax.axis_index("sub")
    c = wid // 4
    jq = wid % 4
    q = jq
    p = wid

    iota = lax.iota(jnp.int32, 16)
    bse, _ = plsc.scan_count(jnp.zeros((16,), jnp.int32))
    base_v = jnp.full((16,), bse[0], jnp.int32)

    m32767 = jnp.full((16,), 32767, jnp.int32)
    capm1 = jnp.full((16,), CAP - 1, jnp.int32)
    capv = jnp.full((16,), CAP, jnp.int32)
    one = jnp.full((16,), 1, jnp.int32)
    zi16 = jnp.zeros((16,), jnp.int32)

    def subblock(blk, _):
        j0 = jq * JQ + blk * SUB
        pltpu.sync_copy(idx_hbm.at[c, pl.ds(j0, SUB)], ibuf)
        pltpu.sync_copy(val_hbm.at[c, pl.ds(j0, SUB)], vbuf)

        def rst(g, _):
            cnts[pl.ds(g * 16, 16)] = zi16
            return 0
        lax.fori_loop(0, NBKT // 16, rst, 0)

        def binify(i, _):
            iv = ibuf[pl.ds(i * 16, 16)]
            vv = vbuf[pl.ds(i * 16, 16)]
            bkt = lax.shift_right_logical(iv, 15)
            tloc = lax.bitwise_and(iv, m32767)
            cur = plsc.load_gather(cnts, [bkt])
            rank, lastm = plsc.scan_count(bkt)
            rank0 = rank - base_v
            pos = jnp.minimum(cur + rank0, capm1)
            plsc.store_scatter(stg_t, [bkt, pos], tloc)
            plsc.store_scatter(stg_v, [bkt, pos], vv)
            plsc.store_scatter(cnts, [bkt], jnp.minimum(cur + rank0 + one, capv),
                               mask=lastm)
            return 0

        lax.fori_loop(0, SUB // 16, binify, 0)

        pltpu.sync_copy(stg_t, tbin_hbm.at[p, blk])
        pltpu.sync_copy(stg_v, vbin_hbm.at[p, blk])
        pltpu.sync_copy(cnts, cnt_hbm.at[p, blk])
        return 0

    lax.fori_loop(0, NBLK, subblock, 0)

    plsc.subcore_barrier()

    def ldcnt(pp, _):
        pltpu.sync_copy(cnt_hbm.at[c * 4 + pp], cntp.at[pp])
        return 0
    lax.fori_loop(0, NP, ldcnt, 0)

    def slab_loop(s, _):
        bkt = q * NSLAB + s
        cell0 = q * QN + s * SLAB

        sent = jnp.full((16,), -1.0, jnp.float32)

        def init(i, _):
            vslab[pl.ds(i * 16, 16)] = sent
            return 0
        lax.fori_loop(0, SLAB // 16, init, 0)

        def prod_loop(pp, _):
            def blk_loop(blk, _):
                pltpu.make_async_copy(
                    tbin_hbm.at[c * 4 + pp, blk, bkt], bint, dsem).start()
                pltpu.make_async_copy(
                    vbin_hbm.at[c * 4 + pp, blk, bkt], binv, dsem).start()
                pltpu.make_async_copy(
                    tbin_hbm.at[c * 4 + pp, blk, bkt], bint, dsem).wait()
                pltpu.make_async_copy(
                    vbin_hbm.at[c * 4 + pp, blk, bkt], binv, dsem).wait()
                cnt_l = plsc.load_gather(
                    cntp, [jnp.full((16,), pp, jnp.int32),
                           jnp.full((16,), blk, jnp.int32),
                           jnp.full((16,), bkt, jnp.int32)])

                def apply(v, _):
                    tq = bint[pl.ds(v * 16, 16)]
                    vq = binv[pl.ds(v * 16, 16)]
                    inb = (jnp.full((16,), v * 16, jnp.int32) + iota) < cnt_l
                    tqc = lax.bitwise_and(tq, m32767)
                    _, lastm = plsc.scan_count(tqc, inb)
                    plsc.store_scatter(vslab, [tqc], vq, mask=inb & lastm)
                    return 0

                lax.fori_loop(0, CAP // 16, apply, 0)
                return 0

            lax.fori_loop(0, NBLK, blk_loop, 0)
            return 0

        lax.fori_loop(0, NP, prod_loop, 0)

        pltpu.sync_copy(mem_hbm.at[c, pl.ds(cell0, SLAB)], mslab)

        def merge(i, _):
            m = mslab[pl.ds(i * 16, 16)]
            tv = vslab[pl.ds(i * 16, 16)]
            mslab[pl.ds(i * 16, 16)] = jnp.where(
                m < 0.0, m, jnp.maximum(m * DECAY, tv))
            return 0

        lax.fori_loop(0, SLAB // 16, merge, 0)
        pltpu.sync_copy(mslab, out_hbm.at[c, pl.ds(cell0, SLAB)])
        return 0

    lax.fori_loop(0, NSLAB, slab_loop, 0)


@jax.jit
def kernel(mem, idx, val):
    idx = idx.astype(jnp.int32)
    run = pl.kernel(
        _body,
        out_type=(
            jax.ShapeDtypeStruct((C, N), jnp.float32),
            jax.ShapeDtypeStruct((32, NBLK, NBKT, CAP), jnp.int32),
            jax.ShapeDtypeStruct((32, NBLK, NBKT, CAP), jnp.float32),
            jax.ShapeDtypeStruct((32, NBLK, NBKT), jnp.int32),
        ),
        mesh=plsc.VectorSubcoreMesh(
            core_axis_name="core", subcore_axis_name="sub"),
        compiler_params=pltpu.CompilerParams(needs_layout_passes=False),
        scratch_types=[
            pltpu.VMEM((SUB,), jnp.int32),
            pltpu.VMEM((SUB,), jnp.float32),
            pltpu.VMEM((NBKT, CAP), jnp.int32),
            pltpu.VMEM((NBKT, CAP), jnp.float32),
            pltpu.VMEM((NBKT,), jnp.int32),
            pltpu.VMEM((SLAB,), jnp.float32),
            pltpu.VMEM((SLAB,), jnp.float32),
            pltpu.VMEM((CAP,), jnp.int32),
            pltpu.VMEM((CAP,), jnp.float32),
            pltpu.VMEM((NP, NBLK, NBKT), jnp.int32),
            pltpu.SemaphoreType.DMA,
        ],
    )
    return run(mem, idx, val)[0]

# --- scband reference (transcript-rebuilt; emitter-appended) ---
"""Pipeline reference for scband-base-module-42296837931411 (READ-ONLY COPY).

The authoritative reference and input builder live on the scoring server;
editing this copy changes nothing except your own understanding.
"""

import jax, jax.numpy as jnp
import numpy as np

C = 8            # cascades
N = 128 ** 3     # grid_size**3 = 2097152 cells per cascade
B = N // 4       # sampled cells per cascade (uniform + occupied)
DECAY = 0.95

def setup_inputs(seed: int = 0) -> dict:
    key = jax.random.key(seed)
    k1, k2, k3 = jax.random.split(key, 3)
    mem = jax.random.normal(k1, (C, N), dtype=jnp.float32)
    idx = jax.random.randint(k2, (C, B), 0, N, dtype=jnp.int64)
    val = jax.random.uniform(k3, (C, B), dtype=jnp.float32)
    return {"mem": mem, "idx": idx, "val": val}

def reference(mem, idx, val):
    # Faithful translation of baseModule.update_density_grid core:
    #   density_grid_tmp = torch.zeros_like(self.density_grid)
    #   for c in cascades: density_grid_tmp[c, indices] = densities
    #   self.density_grid = where(grid < 0, grid, maximum(grid * decay, tmp))
    c_ids = jnp.broadcast_to(jnp.arange(C)[:, None], idx.shape)
    tmp = jnp.zeros_like(mem).at[c_ids, idx].set(val)
    new_grid = jnp.where(mem < 0, mem, jnp.maximum(mem * DECAY, tmp))
    return new_grid

if __name__ == "__main__":
    import jax
    _d = setup_inputs()
    print(jax.jit(kernel)(*tuple(_d.values())))

</pallas_src>

<mosaic_0001>
#map = affine_map<(d0, d1) -> (0, 0)>
#map1 = affine_map<(d0, d1) -> (0, 0, 0, 0)>
#map2 = affine_map<(d0, d1) -> (0, 0, 0)>
module attributes {stable_mosaic.version = 14 : i64} {
  func.func @_body(%arg0: i32, %arg1: i32, %arg2: memref<8x2097152xf32, #tpu.memory_space<hbm>>, %arg3: memref<8x524288xi32, #tpu.memory_space<hbm>>, %arg4: memref<8x524288xf32, #tpu.memory_space<hbm>>, %arg5: memref<8x2097152xf32, #tpu.memory_space<hbm>>, %arg6: memref<32x16x64x192xi32, #tpu.memory_space<hbm>>, %arg7: memref<32x16x64x192xf32, #tpu.memory_space<hbm>>, %arg8: memref<32x16x64xi32, #tpu.memory_space<hbm>>, %arg9: memref<8192xi32, #tpu.memory_space<vmem>>, %arg10: memref<8192xf32, #tpu.memory_space<vmem>>, %arg11: memref<64x192xi32, #tpu.memory_space<vmem>>, %arg12: memref<64x192xf32, #tpu.memory_space<vmem>>, %arg13: memref<64xi32, #tpu.memory_space<vmem>>, %arg14: memref<32768xf32, #tpu.memory_space<vmem>>, %arg15: memref<32768xf32, #tpu.memory_space<vmem>>, %arg16: memref<192xi32, #tpu.memory_space<vmem>>, %arg17: memref<192xf32, #tpu.memory_space<vmem>>, %arg18: memref<4x16x64xi32, #tpu.memory_space<vmem>>, %arg19: memref<!tpu.dma_semaphore, #tpu.memory_space<semaphore_mem>>) attributes {dimension_semantics = [#tpu.dimension_semantics<core_parallel>, #tpu.dimension_semantics<subcore_parallel>], iteration_bounds = array<i64: 2, 16>, scalar_prefetch = 0 : i64, scratch_operands = 11 : i64, tpu.core_type = #tpu.core_type<sc_vector_subcore>, window_params = [{transform_indices = #map}, {transform_indices = #map}, {transform_indices = #map}, {transform_indices = #map}, {transform_indices = #map1}, {transform_indices = #map1}, {transform_indices = #map2}]} {
    %mul3A = arith.constant 16 : i32
    %mul3A_0 = arith.muli %arg0, %mul3A : i32
    %add3A = arith.addi %mul3A_0, %arg1 : i32
    %jit3A = arith.constant 4 : i32
    %div3A = arith.divsi %add3A, %jit3A : i32
    %sign3A = arith.constant 0 : i32
    %sign3A_1 = arith.cmpi sgt, %add3A, %sign3A : i32
    %sign3A_2 = arith.extui %sign3A_1 : i1 to i32
    %sign3A_3 = arith.constant 0 : i32
    %sign3A_4 = arith.cmpi slt, %add3A, %sign3A_3 : i32
    %sign3A_5 = arith.extui %sign3A_4 : i1 to i32
    %sign3A_6 = arith.subi %sign3A_2, %sign3A_5 : i32
    %sign3A_7 = arith.constant 0 : i32
    %sign3A_8 = arith.cmpi sgt, %jit3A, %sign3A_7 : i32
    %sign3A_9 = arith.extui %sign3A_8 : i1 to i32
    %sign3A_10 = arith.constant 0 : i32
    %sign3A_11 = arith.cmpi slt, %jit3A, %sign3A_10 : i32
    %sign3A_12 = arith.extui %sign3A_11 : i1 to i32
    %sign3A_13 = arith.subi %sign3A_9, %sign3A_12 : i32
    %ne3A = arith.cmpi ne, %sign3A_6, %sign3A_13 : i32
    %rem3A = arith.remsi %add3A, %jit3A : i32
    %ne3A_14 = arith.constant 0 : i32
    %ne3A_15 = arith.cmpi ne, %rem3A, %ne3A_14 : i32
    %and3A = arith.andi %ne3A, %ne3A_15 : i1
    %sub3A = arith.constant 1 : i32
    %sub3A_16 = arith.subi %div3A, %sub3A : i32
    %select_n3A = arith.select %and3A, %sub3A_16, %div3A : i32
    %jit3A_17 = arith.constant 4 : i32
    %eq3A = arith.constant 0 : i32
    %eq3A_18 = arith.cmpi eq, %jit3A_17, %eq3A : i32
    %jit3A_19 = arith.constant 1 : i32
    %select_n3A_20 = arith.select %eq3A_18, %jit3A_19, %jit3A_17 : i32
    %rem3A_21 = arith.remsi %add3A, %select_n3A_20 : i32
    %ne3A_22 = arith.constant 0 : i32
    %ne3A_23 = arith.cmpi ne, %rem3A_21, %ne3A_22 : i32
    %lt3A = arith.constant 0 : i32
    %lt3A_24 = arith.cmpi slt, %rem3A_21, %lt3A : i32
    %lt3A_25 = arith.constant 0 : i32
    %lt3A_26 = arith.cmpi slt, %select_n3A_20, %lt3A_25 : i32
    %ne3A_27 = arith.xori %lt3A_24, %lt3A_26 : i1
    %and3A_28 = arith.andi %ne3A_27, %ne3A_23 : i1
    %add3A_29 = arith.addi %rem3A_21, %select_n3A_20 : i32
    %select_n3A_30 = arith.select %and3A_28, %add3A_29, %rem3A_21 : i32
    %iota3A = tpu.iota {dimensions = array<i32: 0>} : vector<16xi32>
    %broadcast_in_dim3A = arith.constant 0 : i32
    %broadcast_in_dim3A_31 = vector.broadcast %broadcast_in_dim3A : i32 to vector<16xi32>
    %broadcast_in_dim3A_32 = arith.constant true
    %broadcast_in_dim3A_33 = vector.broadcast %broadcast_in_dim3A_32 : i1 to vector<16xi1>
    %unique3A, %unique3A_34 = tpu.scan_count mask(%broadcast_in_dim3A_33 : vector<16xi1>) value(%broadcast_in_dim3A_31 : vector<16xi32>) : vector<16xi1>, vector<16xi32>
    %slice3A = vector.extract_strided_slice %unique3A_34 {offsets = [0], sizes = [1], strides = [1]} : vector<16xi32> to vector<1xi32>
    %squeeze3A = vector.extract %slice3A[0] : i32 from vector<1xi32>
    %broadcast_in_dim3A_35 = vector.broadcast %squeeze3A : i32 to vector<16xi32>
    %broadcast_in_dim3A_36 = arith.constant 32767 : i32
    %broadcast_in_dim3A_37 = vector.broadcast %broadcast_in_dim3A_36 : i32 to vector<16xi32>
    %broadcast_in_dim3A_38 = arith.constant 191 : i32
    %broadcast_in_dim3A_39 = vector.broadcast %broadcast_in_dim3A_38 : i32 to vector<16xi32>
    %broadcast_in_dim3A_40 = arith.constant 192 : i32
    %broadcast_in_dim3A_41 = vector.broadcast %broadcast_in_dim3A_40 : i32 to vector<16xi32>
    %broadcast_in_dim3A_42 = arith.constant 1 : i32
    %broadcast_in_dim3A_43 = vector.broadcast %broadcast_in_dim3A_42 : i32 to vector<16xi32>
    %broadcast_in_dim3A_44 = arith.constant 0 : i32
    %broadcast_in_dim3A_45 = vector.broadcast %broadcast_in_dim3A_44 : i32 to vector<16xi32>
    %scan3A = arith.constant 0 : i32
    %scan3A_46 = arith.constant 0 : i32
    %scan3A_47 = arith.constant 16 : i32
    %scan3A_48 = arith.addi %scan3A_46, %scan3A_47 : i32
    %scan3A_49 = arith.constant 1 : i32
    %scan3A_50 = scf.for %scan3A_66 = %scan3A_46 to %scan3A_48 step %scan3A_49 iter_args(%scan3A_67 = %scan3A) -> (i32)  : i32 {
      %mul3A_68 = arith.constant 131072 : i32
      %mul3A_69 = arith.muli %select_n3A_30, %mul3A_68 : i32
      %mul3A_70 = arith.constant 8192 : i32
      %mul3A_71 = arith.muli %scan3A_66, %mul3A_70 : i32
      %add3A_72 = arith.addi %mul3A_69, %mul3A_71 : i32
      "tpu.region"() ({
        %run_scoped3A = tpu.sem_alloc : memref<!tpu.dma_semaphore, #tpu.memory_space<semaphore_mem>>
        %dma_start3A = tpu.memref_slice %arg3[%select_n3A, %add3A_72] : memref<8x524288xi32, #tpu.memory_space<hbm>> -> memref<1x8192xi32, #tpu.memory_space<hbm>>
        %dma_start3A_88 = tpu.memref_squeeze %dma_start3A : memref<1x8192xi32, #tpu.memory_space<hbm>> -> memref<8192xi32, #tpu.memory_space<hbm>>
        %dma_start3A_89 = tpu.memref_slice %arg3[%select_n3A, %add3A_72] : memref<8x524288xi32, #tpu.memory_space<hbm>> -> memref<1x8192xi32, #tpu.memory_space<hbm>>
        %dma_start3A_90 = tpu.memref_squeeze %dma_start3A_89 : memref<1x8192xi32, #tpu.memory_space<hbm>> -> memref<8192xi32, #tpu.memory_space<hbm>>
        tpu.enqueue_dma source(%dma_start3A_90 : memref<8192xi32, #tpu.memory_space<hbm>>) target(%arg9 : memref<8192xi32, #tpu.memory_space<vmem>>) target_semaphore(%run_scoped3A : memref<!tpu.dma_semaphore, #tpu.memory_space<semaphore_mem>>)
        %dma_wait3A = tpu.memref_slice %arg3[%select_n3A, %add3A_72] : memref<8x524288xi32, #tpu.memory_space<hbm>> -> memref<1x8192xi32, #tpu.memory_space<hbm>>
        %dma_wait3A_91 = tpu.memref_squeeze %dma_wait3A : memref<1x8192xi32, #tpu.memory_space<hbm>> -> memref<8192xi32, #tpu.memory_space<hbm>>
        %dma_wait3A_92 = tpu.memref_slice %arg3[%select_n3A, %add3A_72] : memref<8x524288xi32, #tpu.memory_space<hbm>> -> memref<1x8192xi32, #tpu.memory_space<hbm>>
        %dma_wait3A_93 = tpu.memref_squeeze %dma_wait3A_92 : memref<1x8192xi32, #tpu.memory_space<hbm>> -> memref<8192xi32, #tpu.memory_space<hbm>>
        tpu.wait_dma2 semaphore(%run_scoped3A : memref<!tpu.dma_semaphore, #tpu.memory_space<semaphore_mem>>) src(%dma_wait3A_93 : memref<8192xi32, #tpu.memory_space<hbm>>) dst(%arg9 : memref<8192xi32, #tpu.memory_space<vmem>>)
        tpu.yield
      }) : () -> ()
      "tpu.region"() ({
        %run_scoped3A = tpu.sem_alloc : memref<!tpu.dma_semaphore, #tpu.memory_space<semaphore_mem>>
        %dma_start3A = tpu.memref_slice %arg4[%select_n3A, %add3A_72] : memref<8x524288xf32, #tpu.memory_space<hbm>> -> memref<1x8192xf32, #tpu.memory_space<hbm>>
        %dma_start3A_88 = tpu.memref_squeeze %dma_start3A : memref<1x8192xf32, #tpu.memory_space<hbm>> -> memref<8192xf32, #tpu.memory_space<hbm>>
        %dma_start3A_89 = tpu.memref_slice %arg4[%select_n3A, %add3A_72] : memref<8x524288xf32, #tpu.memory_space<hbm>> -> memref<1x8192xf32, #tpu.memory_space<hbm>>
        %dma_start3A_90 = tpu.memref_squeeze %dma_start3A_89 : memref<1x8192xf32, #tpu.memory_space<hbm>> -> memref<8192xf32, #tpu.memory_space<hbm>>
        tpu.enqueue_dma source(%dma_start3A_90 : memref<8192xf32, #tpu.memory_space<hbm>>) target(%arg10 : memref<8192xf32, #tpu.memory_space<vmem>>) target_semaphore(%run_scoped3A : memref<!tpu.dma_semaphore, #tpu.memory_space<semaphore_mem>>)
        %dma_wait3A = tpu.memref_slice %arg4[%select_n3A, %add3A_72] : memref<8x524288xf32, #tpu.memory_space<hbm>> -> memref<1x8192xf32, #tpu.memory_space<hbm>>
        %dma_wait3A_91 = tpu.memref_squeeze %dma_wait3A : memref<1x8192xf32, #tpu.memory_space<hbm>> -> memref<8192xf32, #tpu.memory_space<hbm>>
        %dma_wait3A_92 = tpu.memref_slice %arg4[%select_n3A, %add3A_72] : memref<8x524288xf32, #tpu.memory_space<hbm>> -> memref<1x8192xf32, #tpu.memory_space<hbm>>
        %dma_wait3A_93 = tpu.memref_squeeze %dma_wait3A_92 : memref<1x8192xf32, #tpu.memory_space<hbm>> -> memref<8192xf32, #tpu.memory_space<hbm>>
        tpu.wait_dma2 semaphore(%run_scoped3A : memref<!tpu.dma_semaphore, #tpu.memory_space<semaphore_mem>>) src(%dma_wait3A_93 : memref<8192xf32, #tpu.memory_space<hbm>>) dst(%arg10 : memref<8192xf32, #tpu.memory_space<vmem>>)
        tpu.yield
      }) : () -> ()
      %scan3A_73 = arith.constant 0 : i32
      %scan3A_74 = arith.constant 0 : i32
      %scan3A_75 = arith.constant 4 : i32
      %scan3A_76 = arith.addi %scan3A_74, %scan3A_75 : i32
      %scan3A_77 = arith.constant 1 : i32
      %scan3A_78 = scf.for %scan3A_88 = %scan3A_74 to %scan3A_76 step %scan3A_77 iter_args(%scan3A_89 = %scan3A_73) -> (i32)  : i32 {
        %mul3A_90 = arith.constant 16 : i32
        %mul3A_91 = arith.muli %scan3A_88, %mul3A_90 : i32
        %swap3A = arith.index_cast %mul3A_91 : i32 to index
        %swap3A_92 = tpu.vector_load %arg13[%swap3A] {strides = array<i32>} : memref<64xi32, #tpu.memory_space<vmem>>, vector<16xi32>,
        tpu.vector_store %arg13[%swap3A], %broadcast_in_dim3A_45 {strides = array<i32>} : memref<64xi32, #tpu.memory_space<vmem>>, vector<16xi32>,
        %scan3A_93 = arith.constant 0 : i32
        scf.yield %scan3A_93 : i32
      }
      %scan3A_79 = arith.constant 4 : i32
      %scan3A_80 = arith.constant 0 : i32
      %scan3A_81 = arith.constant 0 : i32
      %scan3A_82 = arith.constant 512 : i32
      %scan3A_83 = arith.addi %scan3A_81, %scan3A_82 : i32
      %scan3A_84 = arith.constant 1 : i32
      %scan3A_85 = scf.for %scan3A_88 = %scan3A_81 to %scan3A_83 step %scan3A_84 iter_args(%scan3A_89 = %scan3A_80) -> (i32)  : i32 {
        %mul3A_90 = arith.constant 16 : i32
        %mul3A_91 = arith.muli %scan3A_88, %mul3A_90 : i32
        %get3A = arith.index_cast %mul3A_91 : i32 to index
        %get3A_92 = tpu.vector_load %arg9[%get3A] {strides = array<i32>} : memref<8192xi32, #tpu.memory_space<vmem>>, vector<16xi32>,
        %mul3A_93 = arith.constant 16 : i32
        %mul3A_94 = arith.muli %scan3A_88, %mul3A_93 : i32
        %get3A_95 = arith.index_cast %mul3A_94 : i32 to index
        %get3A_96 = tpu.vector_load %arg10[%get3A_95] {strides = array<i32>} : memref<8192xf32, #tpu.memory_space<vmem>>, vector<16xf32>,
        %shift_right_logical3A = arith.constant 15 : i32
        %shift_right_logical3A_97 = vector.broadcast %shift_right_logical3A : i32 to vector<16xi32>
        %shift_right_logical3A_98 = arith.shrui %get3A_92, %shift_right_logical3A_97 : vector<16xi32>
        %and3A_99 = arith.andi %get3A_92, %broadcast_in_dim3A_37 : vector<16xi32>
        %gather3A = tpu.vector_load_idx %arg13[%shift_right_logical3A_98] : memref<64xi32, #tpu.memory_space<vmem>>[vector<16xi32>], vector<16xi32>,
        %broadcast_in_dim3A_100 = arith.constant true
        %broadcast_in_dim3A_101 = vector.broadcast %broadcast_in_dim3A_100 : i1 to vector<16xi1>
        %unique3A_102, %unique3A_103 = tpu.scan_count mask(%broadcast_in_dim3A_101 : vector<16xi1>) value(%shift_right_logical3A_98 : vector<16xi32>) : vector<16xi1>, vector<16xi32>
        %sub3A_104 = arith.subi %unique3A_103, %broadcast_in_dim3A_35 : vector<16xi32>
        %add3A_105 = arith.addi %gather3A, %sub3A_104 : vector<16xi32>
        %min3A = arith.minsi %add3A_105, %broadcast_in_dim3A_39 : vector<16xi32>
        tpu.vector_store_idx %arg11[%shift_right_logical3A_98, %min3A], %and3A_99 : memref<64x192xi32, #tpu.memory_space<vmem>>[vector<16xi32>, vector<16xi32>], vector<16xi32>,
        tpu.vector_store_idx %arg12[%shift_right_logical3A_98, %min3A], %get3A_96 : memref<64x192xf32, #tpu.memory_space<vmem>>[vector<16xi32>, vector<16xi32>], vector<16xf32>,
        %add3A_106 = arith.addi %gather3A, %sub3A_104 : vector<16xi32>
        %add3A_107 = arith.addi %add3A_106, %broadcast_in_dim3A_43 : vector<16xi32>
        %min3A_108 = arith.minsi %add3A_107, %broadcast_in_dim3A_41 : vector<16xi32>
        tpu.vector_store_idx %arg13[%shift_right_logical3A_98], %min3A_108 masked %unique3A_102 : memref<64xi32, #tpu.memory_space<vmem>>[vector<16xi32>], vector<16xi32>, vector<16xi1>
        %scan3A_109 = arith.constant 0 : i32
        scf.yield %scan3A_109 : i32
      }
      %scan3A_86 = arith.constant 512 : i32
      "tpu.region"() ({
        %run_scoped3A = tpu.sem_alloc : memref<!tpu.dma_semaphore, #tpu.memory_space<semaphore_mem>>
        %dma_start3A = arith.constant 0 : i32
        %dma_start3A_88 = arith.constant 0 : i32
        %dma_start3A_89 = tpu.memref_slice %arg6[%add3A, %scan3A_66, %dma_start3A, %dma_start3A_88] : memref<32x16x64x192xi32, #tpu.memory_space<hbm>> -> memref<1x1x64x192xi32, #tpu.memory_space<hbm>>
        %dma_start3A_90 = tpu.memref_squeeze %dma_start3A_89 : memref<1x1x64x192xi32, #tpu.memory_space<hbm>> -> memref<64x192xi32, #tpu.memory_space<hbm>>
        %dma_start3A_91 = arith.constant 0 : i32
        %dma_start3A_92 = arith.constant 0 : i32
        %dma_start3A_93 = tpu.memref_slice %arg6[%add3A, %scan3A_66, %dma_start3A_91, %dma_start3A_92] : memref<32x16x64x192xi32, #tpu.memory_space<hbm>> -> memref<1x1x64x192xi32, #tpu.memory_space<hbm>>
        %dma_start3A_94 = tpu.memref_squeeze %dma_start3A_93 : memref<1x1x64x192xi32, #tpu.memory_space<hbm>> -> memref<64x192xi32, #tpu.memory_space<hbm>>
        tpu.enqueue_dma source(%arg11 : memref<64x192xi32, #tpu.memory_space<vmem>>) target(%dma_start3A_94 : memref<64x192xi32, #tpu.memory_space<hbm>>) target_semaphore(%run_scoped3A : memref<!tpu.dma_semaphore, #tpu.memory_space<semaphore_mem>>)
        %dma_wait3A = arith.constant 0 : i32
        %dma_wait3A_95 = arith.constant 0 : i32
        %dma_wait3A_96 = tpu.memref_slice %arg6[%add3A, %scan3A_66, %dma_wait3A, %dma_wait3A_95] : memref<32x16x64x192xi32, #tpu.memory_space<hbm>> -> memref<1x1x64x192xi32, #tpu.memory_space<hbm>>
        %dma_wait3A_97 = tpu.memref_squeeze %dma_wait3A_96 : memref<1x1x64x192xi32, #tpu.memory_space<hbm>> -> memref<64x192xi32, #tpu.memory_space<hbm>>
        %dma_wait3A_98 = arith.constant 0 : i32
        %dma_wait3A_99 = arith.constant 0 : i32
        %dma_wait3A_100 = tpu.memref_slice %arg6[%add3A, %scan3A_66, %dma_wait3A_98, %dma_wait3A_99] : memref<32x16x64x192xi32, #tpu.memory_space<hbm>> -> memref<1x1x64x192xi32, #tpu.memory_space<hbm>>
        %dma_wait3A_101 = tpu.memref_squeeze %dma_wait3A_100 : memref<1x1x64x192xi32, #tpu.memory_space<hbm>> -> memref<64x192xi32, #tpu.memory_space<hbm>>
        tpu.wait_dma2 semaphore(%run_scoped3A : memref<!tpu.dma_semaphore, #tpu.memory_space<semaphore_mem>>) src(%arg11 : memref<64x192xi32, #tpu.memory_space<vmem>>) dst(%dma_wait3A_101 : memref<64x192xi32, #tpu.memory_space<hbm>>)
        tpu.yield
      }) : () -> ()
      "tpu.region"() ({
        %run_scoped3A = tpu.sem_alloc : memref<!tpu.dma_semaphore, #tpu.memory_space<semaphore_mem>>
        %dma_start3A = arith.constant 0 : i32
        %dma_start3A_88 = arith.constant 0 : i32
        %dma_start3A_89 = tpu.memref_slice %arg7[%add3A, %scan3A_66, %dma_start3A, %dma_start3A_88] : memref<32x16x64x192xf32, #tpu.memory_space<hbm>> -> memref<1x1x64x192xf32, #tpu.memory_space<hbm>>
        %dma_start3A_90 = tpu.memref_squeeze %dma_start3A_89 : memref<1x1x64x192xf32, #tpu.memory_space<hbm>> -> memref<64x192xf32, #tpu.memory_space<hbm>>
        %dma_start3A_91 = arith.constant 0 : i32
        %dma_start3A_92 = arith.constant 0 : i32
        %dma_start3A_93 = tpu.memref_slice %arg7[%add3A, %scan3A_66, %dma_start3A_91, %dma_start3A_92] : memref<32x16x64x192xf32, #tpu.memory_space<hbm>> -> memref<1x1x64x192xf32, #tpu.memory_space<hbm>>
        %dma_start3A_94 = tpu.memref_squeeze %dma_start3A_93 : memref<1x1x64x192xf32, #tpu.memory_space<hbm>> -> memref<64x192xf32, #tpu.memory_space<hbm>>
        tpu.enqueue_dma source(%arg12 : memref<64x192xf32, #tpu.memory_space<vmem>>) target(%dma_start3A_94 : memref<64x192xf32, #tpu.memory_space<hbm>>) target_semaphore(%run_scoped3A : memref<!tpu.dma_semaphore, #tpu.memory_space<semaphore_mem>>)
        %dma_wait3A = arith.constant 0 : i32
        %dma_wait3A_95 = arith.constant 0 : i32
        %dma_wait3A_96 = tpu.memref_slice %arg7[%add3A, %scan3A_66, %dma_wait3A, %dma_wait3A_95] : memref<32x16x64x192xf32, #tpu.memory_space<hbm>> -> memref<1x1x64x192xf32, #tpu.memory_space<hbm>>
        %dma_wait3A_97 = tpu.memref_squeeze %dma_wait3A_96 : memref<1x1x64x192xf32, #tpu.memory_space<hbm>> -> memref<64x192xf32, #tpu.memory_space<hbm>>
        %dma_wait3A_98 = arith.constant 0 : i32
        %dma_wait3A_99 = arith.constant 0 : i32
        %dma_wait3A_100 = tpu.memref_slice %arg7[%add3A, %scan3A_66, %dma_wait3A_98, %dma_wait3A_99] : memref<32x16x64x192xf32, #tpu.memory_space<hbm>> -> memref<1x1x64x192xf32, #tpu.memory_space<hbm>>
        %dma_wait3A_101 = tpu.memref_squeeze %dma_wait3A_100 : memref<1x1x64x192xf32, #tpu.memory_space<hbm>> -> memref<64x192xf32, #tpu.memory_space<hbm>>
        tpu.wait_dma2 semaphore(%run_scoped3A : memref<!tpu.dma_semaphore, #tpu.memory_space<semaphore_mem>>) src(%arg12 : memref<64x192xf32, #tpu.memory_space<vmem>>) dst(%dma_wait3A_101 : memref<64x192xf32, #tpu.memory_space<hbm>>)
        tpu.yield
      }) : () -> ()
      "tpu.region"() ({
        %run_scoped3A = tpu.sem_alloc : memref<!tpu.dma_semaphore, #tpu.memory_space<semaphore_mem>>
        %dma_start3A = arith.constant 0 : i32
        %dma_start3A_88 = tpu.memref_slice %arg8[%add3A, %scan3A_66, %dma_start3A] : memref<32x16x64xi32, #tpu.memory_space<hbm>> -> memref<1x1x64xi32, #tpu.memory_space<hbm>>
        %dma_start3A_89 = tpu.memref_squeeze %dma_start3A_88 : memref<1x1x64xi32, #tpu.memory_space<hbm>> -> memref<64xi32, #tpu.memory_space<hbm>>
        %dma_start3A_90 = arith.constant 0 : i32
        %dma_start3A_91 = tpu.memref_slice %arg8[%add3A, %scan3A_66, %dma_start3A_90] : memref<32x16x64xi32, #tpu.memory_space<hbm>> -> memref<1x1x64xi32, #tpu.memory_space<hbm>>
        %dma_start3A_92 = tpu.memref_squeeze %dma_start3A_91 : memref<1x1x64xi32, #tpu.memory_space<hbm>> -> memref<64xi32, #tpu.memory_space<hbm>>
        tpu.enqueue_dma source(%arg13 : memref<64xi32, #tpu.memory_space<vmem>>) target(%dma_start3A_92 : memref<64xi32, #tpu.memory_space<hbm>>) target_semaphore(%run_scoped3A : memref<!tpu.dma_semaphore, #tpu.memory_space<semaphore_mem>>)
        %dma_wait3A = arith.constant 0 : i32
        %dma_wait3A_93 = tpu.memref_slice %arg8[%add3A, %scan3A_66, %dma_wait3A] : memref<32x16x64xi32, #tpu.memory_space<hbm>> -> memref<1x1x64xi32, #tpu.memory_space<hbm>>
        %dma_wait3A_94 = tpu.memref_squeeze %dma_wait3A_93 : memref<1x1x64xi32, #tpu.memory_space<hbm>> -> memref<64xi32, #tpu.memory_space<hbm>>
        %dma_wait3A_95 = arith.constant 0 : i32
        %dma_wait3A_96 = tpu.memref_slice %arg8[%add3A, %scan3A_66, %dma_wait3A_95] : memref<32x16x64xi32, #tpu.memory_space<hbm>> -> memref<1x1x64xi32, #tpu.memory_space<hbm>>
        %dma_wait3A_97 = tpu.memref_squeeze %dma_wait3A_96 : memref<1x1x64xi32, #tpu.memory_space<hbm>> -> memref<64xi32, #tpu.memory_space<hbm>>
        tpu.wait_dma2 semaphore(%run_scoped3A : memref<!tpu.dma_semaphore, #tpu.memory_space<semaphore_mem>>) src(%arg13 : memref<64xi32, #tpu.memory_space<vmem>>) dst(%dma_wait3A_97 : memref<64xi32, #tpu.memory_space<hbm>>)
        tpu.yield
      }) : () -> ()
      %scan3A_87 = arith.constant 0 : i32
      scf.yield %scan3A_87 : i32
    }
    %scan3A_51 = arith.constant 16 : i32
    %barrier3A = arith.constant 0 : index
    tpu.barrier barrier_id(%barrier3A)
    %scan3A_52 = arith.constant 0 : i32
    %scan3A_53 = arith.constant 0 : i32
    %scan3A_54 = arith.constant 4 : i32
    %scan3A_55 = arith.addi %scan3A_53, %scan3A_54 : i32
    %scan3A_56 = arith.constant 1 : i32
    %scan3A_57 = scf.for %scan3A_66 = %scan3A_53 to %scan3A_55 step %scan3A_56 iter_args(%scan3A_67 = %scan3A_52) -> (i32)  : i32 {
      %mul3A_68 = arith.constant 4 : i32
      %mul3A_69 = arith.muli %select_n3A, %mul3A_68 : i32
      %add3A_70 = arith.addi %mul3A_69, %scan3A_66 : i32
      "tpu.region"() ({
        %run_scoped3A = tpu.sem_alloc : memref<!tpu.dma_semaphore, #tpu.memory_space<semaphore_mem>>
        %dma_start3A = arith.constant 0 : i32
        %dma_start3A_72 = arith.constant 0 : i32
        %dma_start3A_73 = tpu.memref_slice %arg18[%scan3A_66, %dma_start3A, %dma_start3A_72] : memref<4x16x64xi32, #tpu.memory_space<vmem>> -> memref<1x16x64xi32, #tpu.memory_space<vmem>>
        %dma_start3A_74 = tpu.memref_squeeze %dma_start3A_73 : memref<1x16x64xi32, #tpu.memory_space<vmem>> -> memref<16x64xi32, #tpu.memory_space<vmem>>
        %dma_start3A_75 = arith.constant 0 : i32
        %dma_start3A_76 = arith.constant 0 : i32
        %dma_start3A_77 = tpu.memref_slice %arg8[%add3A_70, %dma_start3A_75, %dma_start3A_76] : memref<32x16x64xi32, #tpu.memory_space<hbm>> -> memref<1x16x64xi32, #tpu.memory_space<hbm>>
        %dma_start3A_78 = tpu.memref_squeeze %dma_start3A_77 : memref<1x16x64xi32, #tpu.memory_space<hbm>> -> memref<16x64xi32, #tpu.memory_space<hbm>>
        %dma_start3A_79 = arith.constant 0 : i32
        %dma_start3A_80 = arith.constant 0 : i32
        %dma_start3A_81 = tpu.memref_slice %arg18[%scan3A_66, %dma_start3A_79, %dma_start3A_80] : memref<4x16x64xi32, #tpu.memory_space<vmem>> -> memref<1x16x64xi32, #tpu.memory_space<vmem>>
        %dma_start3A_82 = tpu.memref_squeeze %dma_start3A_81 : memref<1x16x64xi32, #tpu.memory_space<vmem>> -> memref<16x64xi32, #tpu.memory_space<vmem>>
        %dma_start3A_83 = arith.constant 0 : i32
        %dma_start3A_84 = arith.constant 0 : i32
        %dma_start3A_85 = tpu.memref_slice %arg8[%add3A_70, %dma_start3A_83, %dma_start3A_84] : memref<32x16x64xi32, #tpu.memory_space<hbm>> -> memref<1x16x64xi32, #tpu.memory_space<hbm>>
        %dma_start3A_86 = tpu.memref_squeeze %dma_start3A_85 : memref<1x16x64xi32, #tpu.memory_space<hbm>> -> memref<16x64xi32, #tpu.memory_space<hbm>>
        tpu.enqueue_dma source(%dma_start3A_86 : memref<16x64xi32, #tpu.memory_space<hbm>>) target(%dma_start3A_82 : memref<16x64xi32, #tpu.memory_space<vmem>>) target_semaphore(%run_scoped3A : memref<!tpu.dma_semaphore, #tpu.memory_space<semaphore_mem>>)
        %dma_wait3A = arith.constant 0 : i32
        %dma_wait3A_87 = arith.constant 0 : i32
        %dma_wait3A_88 = tpu.memref_slice %arg18[%scan3A_66, %dma_wait3A, %dma_wait3A_87] : memref<4x16x64xi32, #tpu.memory_space<vmem>> -> memref<1x16x64xi32, #tpu.memory_space<vmem>>
        %dma_wait3A_89 = tpu.memref_squeeze %dma_wait3A_88 : memref<1x16x64xi32, #tpu.memory_space<vmem>> -> memref<16x64xi32, #tpu.memory_space<vmem>>
        %dma_wait3A_90 = arith.constant 0 : i32
        %dma_wait3A_91 = arith.constant 0 : i32
        %dma_wait3A_92 = tpu.memref_slice %arg8[%add3A_70, %dma_wait3A_90, %dma_wait3A_91] : memref<32x16x64xi32, #tpu.memory_space<hbm>> -> memref<1x16x64xi32, #tpu.memory_space<hbm>>
        %dma_wait3A_93 = tpu.memref_squeeze %dma_wait3A_92 : memref<1x16x64xi32, #tpu.memory_space<hbm>> -> memref<16x64xi32, #tpu.memory_space<hbm>>
        %dma_wait3A_94 = arith.constant 0 : i32
        %dma_wait3A_95 = arith.constant 0 : i32
        %dma_wait3A_96 = tpu.memref_slice %arg18[%scan3A_66, %dma_wait3A_94, %dma_wait3A_95] : memref<4x16x64xi32, #tpu.memory_space<vmem>> -> memref<1x16x64xi32, #tpu.memory_space<vmem>>
        %dma_wait3A_97 = tpu.memref_squeeze %dma_wait3A_96 : memref<1x16x64xi32, #tpu.memory_space<vmem>> -> memref<16x64xi32, #tpu.memory_space<vmem>>
        %dma_wait3A_98 = arith.constant 0 : i32
        %dma_wait3A_99 = arith.constant 0 : i32
        %dma_wait3A_100 = tpu.memref_slice %arg8[%add3A_70, %dma_wait3A_98, %dma_wait3A_99] : memref<32x16x64xi32, #tpu.memory_space<hbm>> -> memref<1x16x64xi32, #tpu.memory_space<hbm>>
        %dma_wait3A_101 = tpu.memref_squeeze %dma_wait3A_100 : memref<1x16x64xi32, #tpu.memory_space<hbm>> -> memref<16x64xi32, #tpu.memory_space<hbm>>
        tpu.wait_dma2 semaphore(%run_scoped3A : memref<!tpu.dma_semaphore, #tpu.memory_space<semaphore_mem>>) src(%dma_wait3A_101 : memref<16x64xi32, #tpu.memory_space<hbm>>) dst(%dma_wait3A_97 : memref<16x64xi32, #tpu.memory_space<vmem>>)
        tpu.yield
      }) : () -> ()
      %scan3A_71 = arith.constant 0 : i32
      scf.yield %scan3A_71 : i32
    }
    %scan3A_58 = arith.constant 4 : i32
    %scan3A_59 = arith.constant 0 : i32
    %scan3A_60 = arith.constant 0 : i32
    %scan3A_61 = arith.constant 16 : i32
    %scan3A_62 = arith.addi %scan3A_60, %scan3A_61 : i32
    %scan3A_63 = arith.constant 1 : i32
    %scan3A_64 = scf.for %scan3A_66 = %scan3A_60 to %scan3A_62 step %scan3A_63 iter_args(%scan3A_67 = %scan3A_59) -> (i32)  : i32 {
      %mul3A_68 = arith.constant 16 : i32
      %mul3A_69 = arith.muli %select_n3A_30, %mul3A_68 : i32
      %add3A_70 = arith.addi %mul3A_69, %scan3A_66 : i32
      %mul3A_71 = arith.constant 524288 : i32
      %mul3A_72 = arith.muli %select_n3A_30, %mul3A_71 : i32
      %mul3A_73 = arith.constant 32768 : i32
      %mul3A_74 = arith.muli %scan3A_66, %mul3A_73 : i32
      %add3A_75 = arith.addi %mul3A_72, %mul3A_74 : i32
      %broadcast_in_dim3A_76 = arith.constant -1.000000e+00 : f32
      %broadcast_in_dim3A_77 = vector.broadcast %broadcast_in_dim3A_76 : f32 to vector<16xf32>
      %scan3A_78 = arith.constant 0 : i32
      %scan3A_79 = arith.constant 0 : i32
      %scan3A_80 = arith.constant 2048 : i32
      %scan3A_81 = arith.addi %scan3A_79, %scan3A_80 : i32
      %scan3A_82 = arith.constant 1 : i32
      %scan3A_83 = scf.for %scan3A_100 = %scan3A_79 to %scan3A_81 step %scan3A_82 iter_args(%scan3A_101 = %scan3A_78) -> (i32)  : i32 {
        %mul3A_102 = arith.constant 16 : i32
        %mul3A_103 = arith.muli %scan3A_100, %mul3A_102 : i32
        %swap3A = arith.index_cast %mul3A_103 : i32 to index
        %swap3A_104 = tpu.vector_load %arg15[%swap3A] {strides = array<i32>} : memref<32768xf32, #tpu.memory_space<vmem>>, vector<16xf32>,
        tpu.vector_store %arg15[%swap3A], %broadcast_in_dim3A_77 {strides = array<i32>} : memref<32768xf32, #tpu.memory_space<vmem>>, vector<16xf32>,
        %scan3A_105 = arith.constant 0 : i32
        scf.yield %scan3A_105 : i32
      }
      %scan3A_84 = arith.constant 2048 : i32
      %scan3A_85 = arith.constant 0 : i32
      %scan3A_86 = arith.constant 0 : i32
      %scan3A_87 = arith.constant 4 : i32
      %scan3A_88 = arith.addi %scan3A_86, %scan3A_87 : i32
      %scan3A_89 = arith.constant 1 : i32
      %scan3A_90 = scf.for %scan3A_100 = %scan3A_86 to %scan3A_88 step %scan3A_89 iter_args(%scan3A_101 = %scan3A_85) -> (i32)  : i32 {
        %scan3A_102 = arith.constant 0 : i32
        %scan3A_103 = arith.constant 0 : i32
        %scan3A_104 = arith.constant 16 : i32
        %scan3A_105 = arith.addi %scan3A_103, %scan3A_104 : i32
        %scan3A_106 = arith.constant 1 : i32
        %scan3A_107 = scf.for %scan3A_110 = %scan3A_103 to %scan3A_105 step %scan3A_106 iter_args(%scan3A_111 = %scan3A_102) -> (i32)  : i32 {
          %mul3A_112 = arith.constant 4 : i32
          %mul3A_113 = arith.muli %select_n3A, %mul3A_112 : i32
          %add3A_114 = arith.addi %mul3A_113, %scan3A_100 : i32
          %dma_start3A = arith.constant 0 : i32
          %dma_start3A_115 = tpu.memref_slice %arg6[%add3A_114, %scan3A_110, %add3A_70, %dma_start3A] : memref<32x16x64x192xi32, #tpu.memory_space<hbm>> -> memref<1x1x1x192xi32, #tpu.memory_space<hbm>>
          %dma_start3A_116 = tpu.memref_squeeze %dma_start3A_115 : memref<1x1x1x192xi32, #tpu.memory_space<hbm>> -> memref<192xi32, #tpu.memory_space<hbm>>
          %dma_start3A_117 = arith.constant 0 : i32
          %dma_start3A_118 = tpu.memref_slice %arg6[%add3A_114, %scan3A_110, %add3A_70, %dma_start3A_117] : memref<32x16x64x192xi32, #tpu.memory_space<hbm>> -> memref<1x1x1x192xi32, #tpu.memory_space<hbm>>
          %dma_start3A_119 = tpu.memref_squeeze %dma_start3A_118 : memref<1x1x1x192xi32, #tpu.memory_space<hbm>> -> memref<192xi32, #tpu.memory_space<hbm>>
          tpu.enqueue_dma source(%dma_start3A_119 : memref<192xi32, #tpu.memory_space<hbm>>) target(%arg16 : memref<192xi32, #tpu.memory_space<vmem>>) target_semaphore(%arg19 : memref<!tpu.dma_semaphore, #tpu.memory_space<semaphore_mem>>)
          %mul3A_120 = arith.constant 4 : i32
          %mul3A_121 = arith.muli %select_n3A, %mul3A_120 : i32
          %add3A_122 = arith.addi %mul3A_121, %scan3A_100 : i32
          %dma_start3A_123 = arith.constant 0 : i32
          %dma_start3A_124 = tpu.memref_slice %arg7[%add3A_122, %scan3A_110, %add3A_70, %dma_start3A_123] : memref<32x16x64x192xf32, #tpu.memory_space<hbm>> -> memref<1x1x1x192xf32, #tpu.memory_space<hbm>>
          %dma_start3A_125 = tpu.memref_squeeze %dma_start3A_124 : memref<1x1x1x192xf32, #tpu.memory_space<hbm>> -> memref<192xf32, #tpu.memory_space<hbm>>
          %dma_start3A_126 = arith.constant 0 : i32
          %dma_start3A_127 = tpu.memref_slice %arg7[%add3A_122, %scan3A_110, %add3A_70, %dma_start3A_126] : memref<32x16x64x192xf32, #tpu.memory_space<hbm>> -> memref<1x1x1x192xf32, #tpu.memory_space<hbm>>
          %dma_start3A_128 = tpu.memref_squeeze %dma_start3A_127 : memref<1x1x1x192xf32, #tpu.memory_space<hbm>> -> memref<192xf32, #tpu.memory_space<hbm>>
          tpu.enqueue_dma source(%dma_start3A_128 : memref<192xf32, #tpu.memory_space<hbm>>) target(%arg17 : memref<192xf32, #tpu.memory_space<vmem>>) target_semaphore(%arg19 : memref<!tpu.dma_semaphore, #tpu.memory_space<semaphore_mem>>)
          %mul3A_129 = arith.constant 4 : i32
          %mul3A_130 = arith.muli %select_n3A, %mul3A_129 : i32
          %add3A_131 = arith.addi %mul3A_130, %scan3A_100 : i32
          %dma_wait3A = arith.constant 0 : i32
          %dma_wait3A_132 = tpu.memref_slice %arg6[%add3A_131, %scan3A_110, %add3A_70, %dma_wait3A] : memref<32x16x64x192xi32, #tpu.memory_space<hbm>> -> memref<1x1x1x192xi32, #tpu.memory_space<hbm>>
          %dma_wait3A_133 = tpu.memref_squeeze %dma_wait3A_132 : memref<1x1x1x192xi32, #tpu.memory_space<hbm>> -> memref<192xi32, #tpu.memory_space<hbm>>
          %dma_wait3A_134 = arith.constant 0 : i32
          %dma_wait3A_135 = tpu.memref_slice %arg6[%add3A_131, %scan3A_110, %add3A_70, %dma_wait3A_134] : memref<32x16x64x192xi32, #tpu.memory_space<hbm>> -> memref<1x1x1x192xi32, #tpu.memory_space<hbm>>
          %dma_wait3A_136 = tpu.memref_squeeze %dma_wait3A_135 : memref<1x1x1x192xi32, #tpu.memory_space<hbm>> -> memref<192xi32, #tpu.memory_space<hbm>>
          tpu.wait_dma2 semaphore(%arg19 : memref<!tpu.dma_semaphore, #tpu.memory_space<semaphore_mem>>) src(%dma_wait3A_136 : memref<192xi32, #tpu.memory_space<hbm>>) dst(%arg16 : memref<192xi32, #tpu.memory_space<vmem>>)
          %mul3A_137 = arith.constant 4 : i32
          %mul3A_138 = arith.muli %select_n3A, %mul3A_137 : i32
          %add3A_139 = arith.addi %mul3A_138, %scan3A_100 : i32
          %dma_wait3A_140 = arith.constant 0 : i32
          %dma_wait3A_141 = tpu.memref_slice %arg7[%add3A_139, %scan3A_110, %add3A_70, %dma_wait3A_140] : memref<32x16x64x192xf32, #tpu.memory_space<hbm>> -> memref<1x1x1x192xf32, #tpu.memory_space<hbm>>
          %dma_wait3A_142 = tpu.memref_squeeze %dma_wait3A_141 : memref<1x1x1x192xf32, #tpu.memory_space<hbm>> -> memref<192xf32, #tpu.memory_space<hbm>>
          %dma_wait3A_143 = arith.constant 0 : i32
          %dma_wait3A_144 = tpu.memref_slice %arg7[%add3A_139, %scan3A_110, %add3A_70, %dma_wait3A_143] : memref<32x16x64x192xf32, #tpu.memory_space<hbm>> -> memref<1x1x1x192xf32, #tpu.memory_space<hbm>>
          %dma_wait3A_145 = tpu.memref_squeeze %dma_wait3A_144 : memref<1x1x1x192xf32, #tpu.memory_space<hbm>> -> memref<192xf32, #tpu.memory_space<hbm>>
          tpu.wait_dma2 semaphore(%arg19 : memref<!tpu.dma_semaphore, #tpu.memory_space<semaphore_mem>>) src(%dma_wait3A_145 : memref<192xf32, #tpu.memory_space<hbm>>) dst(%arg17 : memref<192xf32, #tpu.memory_space<vmem>>)
          %broadcast_in_dim3A_146 = vector.broadcast %scan3A_100 : i32 to vector<16xi32>
          %broadcast_in_dim3A_147 = vector.broadcast %scan3A_110 : i32 to vector<16xi32>
          %broadcast_in_dim3A_148 = vector.broadcast %add3A_70 : i32 to vector<16xi32>
          %gather3A = tpu.vector_load_idx %arg18[%broadcast_in_dim3A_146, %broadcast_in_dim3A_147, %broadcast_in_dim3A_148] : memref<4x16x64xi32, #tpu.memory_space<vmem>>[vector<16xi32>, vector<16xi32>, vector<16xi32>], vector<16xi32>,
          %scan3A_149 = arith.constant 0 : i32
          %scan3A_150 = arith.constant 0 : i32
          %scan3A_151 = arith.constant 12 : i32
          %scan3A_152 = arith.addi %scan3A_150, %scan3A_151 : i32
          %scan3A_153 = arith.constant 1 : i32
          %scan3A_154 = scf.for %scan3A_157 = %scan3A_150 to %scan3A_152 step %scan3A_153 iter_args(%scan3A_158 = %scan3A_149) -> (i32)  : i32 {
            %mul3A_159 = arith.constant 16 : i32
            %mul3A_160 = arith.muli %scan3A_157, %mul3A_159 : i32
            %get3A = arith.index_cast %mul3A_160 : i32 to index
            %get3A_161 = tpu.vector_load %arg16[%get3A] {strides = array<i32>} : memref<192xi32, #tpu.memory_space<vmem>>, vector<16xi32>,
            %mul3A_162 = arith.constant 16 : i32
            %mul3A_163 = arith.muli %scan3A_157, %mul3A_162 : i32
            %get3A_164 = arith.index_cast %mul3A_163 : i32 to index
            %get3A_165 = tpu.vector_load %arg17[%get3A_164] {strides = array<i32>} : memref<192xf32, #tpu.memory_space<vmem>>, vector<16xf32>,
            %mul3A_166 = arith.constant 16 : i32
            %mul3A_167 = arith.muli %scan3A_157, %mul3A_166 : i32
            %broadcast_in_dim3A_168 = vector.broadcast %mul3A_167 : i32 to vector<16xi32>
            %add3A_169 = arith.addi %broadcast_in_dim3A_168, %iota3A : vector<16xi32>
            %lt3A_170 = arith.cmpi slt, %add3A_169, %gather3A : vector<16xi32>
            %and3A_171 = arith.andi %get3A_161, %broadcast_in_dim3A_37 : vector<16xi32>
            %unique3A_172, %unique3A_173 = tpu.scan_count mask(%lt3A_170 : vector<16xi1>) value(%and3A_171 : vector<16xi32>) : vector<16xi1>, vector<16xi32>
            %and3A_174 = arith.andi %lt3A_170, %unique3A_172 : vector<16xi1>
            tpu.vector_store_idx %arg15[%and3A_171], %get3A_165 masked %and3A_174 : memref<32768xf32, #tpu.memory_space<vmem>>[vector<16xi32>], vector<16xf32>, vector<16xi1>
            %scan3A_175 = arith.constant 0 : i32
            scf.yield %scan3A_175 : i32
          }
          %scan3A_155 = arith.constant 12 : i32
          %scan3A_156 = arith.constant 0 : i32
          scf.yield %scan3A_156 : i32
        }
        %scan3A_108 = arith.constant 16 : i32
        %scan3A_109 = arith.constant 0 : i32
        scf.yield %scan3A_109 : i32
      }
      %scan3A_91 = arith.constant 4 : i32
      "tpu.region"() ({
        %run_scoped3A = tpu.sem_alloc : memref<!tpu.dma_semaphore, #tpu.memory_space<semaphore_mem>>
        %dma_start3A = tpu.memref_slice %arg2[%select_n3A, %add3A_75] : memref<8x2097152xf32, #tpu.memory_space<hbm>> -> memref<1x32768xf32, #tpu.memory_space<hbm>>
        %dma_start3A_100 = tpu.memref_squeeze %dma_start3A : memref<1x32768xf32, #tpu.memory_space<hbm>> -> memref<32768xf32, #tpu.memory_space<hbm>>
        %dma_start3A_101 = tpu.memref_slice %arg2[%select_n3A, %add3A_75] : memref<8x2097152xf32, #tpu.memory_space<hbm>> -> memref<1x32768xf32, #tpu.memory_space<hbm>>
        %dma_start3A_102 = tpu.memref_squeeze %dma_start3A_101 : memref<1x32768xf32, #tpu.memory_space<hbm>> -> memref<32768xf32, #tpu.memory_space<hbm>>
        tpu.enqueue_dma source(%dma_start3A_102 : memref<32768xf32, #tpu.memory_space<hbm>>) target(%arg14 : memref<32768xf32, #tpu.memory_space<vmem>>) target_semaphore(%run_scoped3A : memref<!tpu.dma_semaphore, #tpu.memory_space<semaphore_mem>>)
        %dma_wait3A = tpu.memref_slice %arg2[%select_n3A, %add3A_75] : memref<8x2097152xf32, #tpu.memory_space<hbm>> -> memref<1x32768xf32, #tpu.memory_space<hbm>>
        %dma_wait3A_103 = tpu.memref_squeeze %dma_wait3A : memref<1x32768xf32, #tpu.memory_space<hbm>> -> memref<32768xf32, #tpu.memory_space<hbm>>
        %dma_wait3A_104 = tpu.memref_slice %arg2[%select_n3A, %add3A_75] : memref<8x2097152xf32, #tpu.memory_space<hbm>> -> memref<1x32768xf32, #tpu.memory_space<hbm>>
        %dma_wait3A_105 = tpu.memref_squeeze %dma_wait3A_104 : memref<1x32768xf32, #tpu.memory_space<hbm>> -> memref<32768xf32, #tpu.memory_space<hbm>>
        tpu.wait_dma2 semaphore(%run_scoped3A : memref<!tpu.dma_semaphore, #tpu.memory_space<semaphore_mem>>) src(%dma_wait3A_105 : memref<32768xf32, #tpu.memory_space<hbm>>) dst(%arg14 : memref<32768xf32, #tpu.memory_space<vmem>>)
        tpu.yield
      }) : () -> ()
      %scan3A_92 = arith.constant 0 : i32
      %scan3A_93 = arith.constant 0 : i32
      %scan3A_94 = arith.constant 2048 : i32
      %scan3A_95 = arith.addi %scan3A_93, %scan3A_94 : i32
      %scan3A_96 = arith.constant 1 : i32
      %scan3A_97 = scf.for %scan3A_100 = %scan3A_93 to %scan3A_95 step %scan3A_96 iter_args(%scan3A_101 = %scan3A_92) -> (i32)  : i32 {
        %mul3A_102 = arith.constant 16 : i32
        %mul3A_103 = arith.muli %scan3A_100, %mul3A_102 : i32
        %get3A = arith.index_cast %mul3A_103 : i32 to index
        %get3A_104 = tpu.vector_load %arg14[%get3A] {strides = array<i32>} : memref<32768xf32, #tpu.memory_space<vmem>>, vector<16xf32>,
        %mul3A_105 = arith.constant 16 : i32
        %mul3A_106 = arith.muli %scan3A_100, %mul3A_105 : i32
        %get3A_107 = arith.index_cast %mul3A_106 : i32 to index
        %get3A_108 = tpu.vector_load %arg15[%get3A_107] {strides = array<i32>} : memref<32768xf32, #tpu.memory_space<vmem>>, vector<16xf32>,
        %lt3A_109 = arith.constant 0.000000e+00 : f32
        %lt3A_110 = vector.broadcast %lt3A_109 : f32 to vector<16xf32>
        %lt3A_111 = arith.cmpf olt, %get3A_104, %lt3A_110 : vector<16xf32>
        %mul3A_112 = arith.constant 0.949999988 : f32
        %mul3A_113 = vector.broadcast %mul3A_112 : f32 to vector<16xf32>
        %mul3A_114 = arith.mulf %get3A_104, %mul3A_113 : vector<16xf32>
        %max3A = arith.maximumf %mul3A_114, %get3A_108 : vector<16xf32>
        %select_n3A_115 = arith.select %lt3A_111, %get3A_104, %max3A : vector<16xi1>, vector<16xf32>
        %mul3A_116 = arith.constant 16 : i32
        %mul3A_117 = arith.muli %scan3A_100, %mul3A_116 : i32
        %swap3A = arith.index_cast %mul3A_117 : i32 to index
        %swap3A_118 = tpu.vector_load %arg14[%swap3A] {strides = array<i32>} : memref<32768xf32, #tpu.memory_space<vmem>>, vector<16xf32>,
        tpu.vector_store %arg14[%swap3A], %select_n3A_115 {strides = array<i32>} : memref<32768xf32, #tpu.memory_space<vmem>>, vector<16xf32>,
        %scan3A_119 = arith.constant 0 : i32
        scf.yield %scan3A_119 : i32
      }
      %scan3A_98 = arith.constant 2048 : i32
      "tpu.region"() ({
        %run_scoped3A = tpu.sem_alloc : memref<!tpu.dma_semaphore, #tpu.memory_space<semaphore_mem>>
        %dma_start3A = tpu.memref_slice %arg5[%select_n3A, %add3A_75] : memref<8x2097152xf32, #tpu.memory_space<hbm>> -> memref<1x32768xf32, #tpu.memory_space<hbm>>
        %dma_start3A_100 = tpu.memref_squeeze %dma_start3A : memref<1x32768xf32, #tpu.memory_space<hbm>> -> memref<32768xf32, #tpu.memory_space<hbm>>
        %dma_start3A_101 = tpu.memref_slice %arg5[%select_n3A, %add3A_75] : memref<8x2097152xf32, #tpu.memory_space<hbm>> -> memref<1x32768xf32, #tpu.memory_space<hbm>>
        %dma_start3A_102 = tpu.memref_squeeze %dma_start3A_101 : memref<1x32768xf32, #tpu.memory_space<hbm>> -> memref<32768xf32, #tpu.memory_space<hbm>>
        tpu.enqueue_dma source(%arg14 : memref<32768xf32, #tpu.memory_space<vmem>>) target(%dma_start3A_102 : memref<32768xf32, #tpu.memory_space<hbm>>) target_semaphore(%run_scoped3A : memref<!tpu.dma_semaphore, #tpu.memory_space<semaphore_mem>>)
        %dma_wait3A = tpu.memref_slice %arg5[%select_n3A, %add3A_75] : memref<8x2097152xf32, #tpu.memory_space<hbm>> -> memref<1x32768xf32, #tpu.memory_space<hbm>>
        %dma_wait3A_103 = tpu.memref_squeeze %dma_wait3A : memref<1x32768xf32, #tpu.memory_space<hbm>> -> memref<32768xf32, #tpu.memory_space<hbm>>
        %dma_wait3A_104 = tpu.memref_slice %arg5[%select_n3A, %add3A_75] : memref<8x2097152xf32, #tpu.memory_space<hbm>> -> memref<1x32768xf32, #tpu.memory_space<hbm>>
        %dma_wait3A_105 = tpu.memref_squeeze %dma_wait3A_104 : memref<1x32768xf32, #tpu.memory_space<hbm>> -> memref<32768xf32, #tpu.memory_space<hbm>>
        tpu.wait_dma2 semaphore(%run_scoped3A : memref<!tpu.dma_semaphore, #tpu.memory_space<semaphore_mem>>) src(%arg14 : memref<32768xf32, #tpu.memory_space<vmem>>) dst(%dma_wait3A_105 : memref<32768xf32, #tpu.memory_space<hbm>>)
        tpu.yield
      }) : () -> ()
      %scan3A_99 = arith.constant 0 : i32
      scf.yield %scan3A_99 : i32
    }
    %scan3A_65 = arith.constant 16 : i32
    return
  }
}

</mosaic_0001>

<sc_bundles>
// kernel: kernel.3.cloned.1.call-start
scs
__scs_entry_jumppad:
0x0: {  	(pc) =	sbr.rel $0x88, $3  }
0x1: {  	(tag) =	ssettag $0x0;
	lr =	simm.s32 $0x1  }
0x2: {  	[smem:$0x3F9E] =	sst lr;
	_ =	strace $0xD0000000  }
0x3: {  	_ = 	snop  }
0x4: {  	_ = 	snop  }
0x5: {  	_ = 	snop  }
0x6: {  	_ = 	snop  }
0x7: {  	_ = 	snop  }
__scs_overlays_trampoline_lowered:
0x8: {  	[smem:$0x3FAD] =	sst s0  }
0x9: {  	[smem:$0x3FAE] =	sst s1  }
0xa: {  	[smem:$0x3FAF] =	sst s2  }
0xb: {  	[smem:$0x3FB0] =	sst s3  }
0xc: {  	[smem:$0x3FB1] =	sst s4  }
0xd: {  	[smem:$0x3FB2] =	sst s5  }
0xe: {  	[smem:$0x3FB3] =	sst s6  }
0xf: {  	[smem:$0x3FB4] =	sst s7  }
0x10: {  	[smem:$0x3FB5] =	sst s8  }
0x11: {  	[smem:$0x3FB6] =	sst s9;
	s0 =	simm.s32 @!p0 $0x0  }
0x12: {  	s1 =	sld [smem:$0x3F9C];
	s0 =	simm.s32 @p0 $0x1  }
0x13: {  	[smem:$0x3FB7] =	sst s0;
	s0 =	simm.s32 @!p1 $0x0  }
0x14: {  	s2 =	sld [smem:$0x3F9B];
	s0 =	simm.s32 @p1 $0x1  }
0x15: {  	[smem:$0x3FB8] =	sst s0;
	s0 =	simm.s32 @!p2 $0x0  }
0x16: {  	s3 =	sld [smem:$0x3FDB];
	s0 =	simm.s32 @p2 $0x1  }
0x17: {  	s4 =	simm.s32 $0x1BF5;
	[smem:$0x3FBA] =	sst s0  }
0x18: {  	s0 =	sld [smem:$0x3F9D];
	_ =	swait.ge [sflag:s4], $0x0  }
0x19: {  	s7 =	sld [smem:$0x3F9E]  }
0x1a: {  	s8 =	sadd.s32 $0xFFFFE003, lr  }
0x1b: {  	s9 =	sadd.s32 $0xFFFFFEF7, lr;
	s5 =	simm.s32 $0xFFFFFFFF;
	p2 =	slt.u32 s8, $0xFFFFF086  }
0x1c: {  	p1 =	slt.u32 s9, $0xF7A;
	s5 =	simm.s32 @!p2 $0x0  }
0x1d: {  	s5 =	simm.s32 @p1 $0x1;
	p0 =	seq.s32 s7, s2  }
0x1e: {  	s7 =	smul.u32 @!p0 $0xF7A, s2;
	p2 =	seq.s32 @!p0 s5, $0x0  }
0x1f: {  	s9 =	smul.u32 $0xF7A, s1;
	s8 =	simm.s32 @!p0 $0x1BF5;
	p2 =	por !p2, p0  }
0x20: {  	[sflag:s8] =	ssyncset.s32 @!p0 $0xFFFFF086;
	s6 =	sadd.s32 @!p0 s3, s7;
	s7 =	simm.s32 @!p0 $0x108  }
0x21: {  	s3 =	sadd.s32 s3, s9;
	s6 =	sadd.s32 @!p0 $0x88, s6;
	s7 =	simm.s32 @p2 $0x1082  }
0x22: {  	[simem:s7], [sflag:s8] =	dma.local @!p0 [hbm:s6], $0xF7A  }
0x23: {  	s9 =	sor.u32 $0xD0000000, s2;
	s6 =	simm.s32 $0x108;
	_ =	swait.ge @!p0 [sflag:s8], $0x0  }
0x24: {  	s3 =	sadd.s32 $0x88, s3;
	s6 =	simm.s32 @!p1 $0x1082;
	[sflag:s4] =	ssyncset.s32 $0xFFFFF086  }
0x25: {  	[simem:s6], [sflag:s4] =	dma.local [hbm:s3], $0xF7A  }
0x26: {  	[smem:$0x3F9E] =	sst s1;
	(tag) =	ssettag s2;
	_ =	strace s9  }
0x27: {  	s1 =	sld [smem:$0x3FAE]  }
0x28: {  	s2 =	sld [smem:$0x3FAF]  }
0x29: {  	s4 =	sld [smem:$0x3FB1]  }
0x2a: {  	p0 =	seq.s32 s5, $0x0;
	s5 =	sld [smem:$0x3FB2]  }
0x2b: {  	s6 =	sld [smem:$0x3FB3]  }
0x2c: {  	s7 =	sld [smem:$0x3FB4]  }
0x2d: {  	s3 =	simm.s32 $0x108;
	s8 =	sld [smem:$0x3FB5]  }
0x2e: {  	s3 =	simm.s32 @!p0 $0x1082;
	s9 =	sld [smem:$0x3FB6]  }
0x2f: {  	lr =	sadd.s32 s0, s3;
	s0 =	sld [smem:$0x3FAD]  }
0x30: {  	s3 =	sld [smem:$0x3FB0]  }
0x31: {  	[smem:$0x3FB9] =	sst s10  }
0x32: {  	s10 =	sld [smem:$0x3FB7];
	_ =	sdelay $0x3  }
0x33: {  	p0 =	seq.s32 s10, $0x1;
	s10 =	sld [smem:$0x3FB9];
	_ =	sdelay $0x3  }
0x34: {  	[smem:$0x3FB9] =	sst s10  }
0x35: {  	s10 =	sld [smem:$0x3FB8];
	_ =	sdelay $0x3  }
0x36: {  	p1 =	seq.s32 s10, $0x1;
	s10 =	sld [smem:$0x3FB9];
	_ =	sdelay $0x3  }
0x37: {  	[smem:$0x3FB9] =	sst s10  }
0x38: {  	s10 =	sld [smem:$0x3FBA]  }
0x39: {  	_ = 	snop;
	(pc) =	sbr.ind lr, $3  }
0x3a: {  	_ = 	snop  }
0x3b: {  	_ = 	snop  }
0x3c: {  	p2 =	seq.s32 s10, $0x1;
	s10 =	sld [smem:$0x3FB9]  }
0x3d: {  	_ =	shalt  }
0x3e: {  	_ =	shalt  }
0x3f: {  	_ =	shalt  }
0x40: {  	_ =	shalt  }
0x41: {  	_ =	shalt  }
0x42: {  	_ =	shalt  }
0x43: {  	_ =	shalt  }
0x44: {  	_ =	shalt  }
0x45: {  	_ =	shalt  }
0x46: {  	_ =	shalt  }
0x47: {  	_ =	shalt  }
0x48: {  	_ =	shalt  }
0x49: {  	_ =	shalt  }
0x4a: {  	_ =	shalt  }
0x4b: {  	_ =	shalt  }
0x4c: {  	_ =	shalt  }
0x4d: {  	_ =	shalt  }
0x4e: {  	_ =	shalt  }
0x4f: {  	_ =	shalt  }
0x50: {  	_ =	shalt  }
0x51: {  	_ =	shalt  }
0x52: {  	_ =	shalt  }
0x53: {  	_ =	shalt  }
0x54: {  	_ =	shalt  }
0x55: {  	_ =	shalt  }
0x56: {  	_ =	shalt  }
0x57: {  	_ =	shalt  }
0x58: {  	_ =	shalt  }
0x59: {  	_ =	shalt  }
0x5a: {  	_ =	shalt  }
0x5b: {  	_ =	shalt  }
0x5c: {  	_ =	shalt  }
0x5d: {  	_ =	shalt  }
0x5e: {  	_ =	shalt  }
0x5f: {  	_ =	shalt  }
0x60: {  	_ =	shalt  }
0x61: {  	_ =	shalt  }
0x62: {  	_ =	shalt  }
0x63: {  	_ =	shalt  }
0x64: {  	_ =	shalt  }
0x65: {  	_ =	shalt  }
0x66: {  	_ =	shalt  }
0x67: {  	_ =	shalt  }
0x68: {  	_ =	shalt  }
0x69: {  	_ =	shalt  }
0x6a: {  	_ =	shalt  }
0x6b: {  	_ =	shalt  }
0x6c: {  	_ =	shalt  }
0x6d: {  	_ =	shalt  }
0x6e: {  	_ =	shalt  }
0x6f: {  	_ =	shalt  }
0x70: {  	_ =	shalt  }
0x71: {  	_ =	shalt  }
0x72: {  	_ =	shalt  }
0x73: {  	_ =	shalt  }
0x74: {  	_ =	shalt  }
0x75: {  	_ =	shalt  }
0x76: {  	_ =	shalt  }
0x77: {  	_ =	shalt  }
0x78: {  	_ =	shalt  }
0x79: {  	_ =	shalt  }
0x7a: {  	_ =	shalt  }
0x7b: {  	_ =	shalt  }
0x7c: {  	_ =	shalt  }
0x7d: {  	_ =	shalt  }
0x7e: {  	_ =	shalt  }
0x7f: {  	_ =	shalt  }
0x80: {  	_ =	shalt  }
0x81: {  	_ =	shalt  }
0x82: {  	_ =	shalt  }
0x83: {  	_ =	shalt  }
0x84: {  	_ =	shalt  }
0x85: {  	_ =	shalt  }
0x86: {  	_ =	shalt  }
0x87: {  	_ =	shalt  }
.Lfunc_end0:
.L_simem_size_0:
called_computation_lowered:
.L_overlay_start_0:
0x88: {  	s2 =	sld [smem:$0x3FD9]  }
0x89: {  	s3 =	sld [smem:$0x3FFE];
	_ =	sdelay $0x1  }
0x8a: {  	s1 =	srdreg.scid  }
0x8b: {  	s0 =	sand.u32 $0x1, s1  }
0x8c: {  	s17 =	sshll.u32 s0, $0xA;
	s2 =	sadd.s32 s3, s2  }
0x8d: {  	s2 =	sadd.s32 s2, s17  }
0x8e: {  	[smem:$0x3FC5] =	sst s2  }
0x8f: {  	_ = 	snop  }
0x90: {  	s2 =	sld [smem:$0x3FC9]  }
0x91: {  	s18 =	sld [smem:$0x3FC8]  }
0x92: {  	s4 =	sld [smem:$0x3FC7]  }
0x93: {  	s5 =	sld [smem:$0x3FD0];
	(tm) =	ssettm $0x1  }
0x94: {  	s6 =	sld [smem:$0x3FFB];
	_ =	sdelay $0x3  }
0x95: {  	_ =	strace s6  }
0x96: {  	s6 =	sld [smem:$0x3FFC];
	_ =	sdelay $0x3  }
0x97: {  	_ =	strace s6  }
0x98: {  	s6 =	sld [smem:$0x3FFD];
	_ =	sdelay $0x3  }
0x99: {  	_ =	strace s6  }
0x9a: {  	_ =	strace $0x8FFFFFFF  }
0x9b: {  	s19 =	sld [smem:$0x3FDB];
	_ =	sdelay $0x1  }
0x9c: {  	s7 =	simm.s32 $_scs_section_size  }
0x9d: {  	s8 =	simm.s32 $_size__tile_overlayer_lowered;
	s9 =	simm.s32 $_tile_overlayer_lowered  }
0x9e: {  	s22 =	simm.s32 $0x1BFF;
	s21 =	sshll.u32 s9, $0x1;
	s6 =	sadd.s32 s7, s19  }
0x9f: {  	s10 =	simm.s32 $0x0;
	s20 =	sshll.u32 s8, $0x1;
	s8 =	sadd.s32 s21, s6  }
0xa0: {  	[timem:s10], [sflag:s22] =	dma.local [hbm:s8], s20  }
0xa1: {  	_ =	swait.ge [sflag:s22], s20  }
0xa2: {  	s7 =	ssub.s32 $0x0, s20;
	[sflag:s22] =	ssyncset.done $0x0  }
0xa3: {  	[sflag:s22] =	ssyncadd.s32 s7;
	_ =	sdelay $0x1  }
0xa4: {  	s23 =	simm.s32 $0x1B8B  }
0xa5: {  	_ =	swait.ge [sflag:s23], $0x1  }
0xa6: {  	[sflag:s23] =	ssyncset.done $0x0  }
0xa7: {  	s25 =	simm.s32 $0x1B8E;
	s24 =	sld [smem:$0x3FFE];
	[sflag:s23] =	ssyncadd.s32 $0xFFFFFFFF  }
0xa8: {  	s26 =	simm.s32 $execute0_lowered;
	[smem:$0x3FD2] =	sst s25  }
0xa9: {  	s8 =	sshll.u32 s26, $0x1;
	_ =	strace $0x80000046;
	[dreg:$0x1] =	wrdreg $0xFFFFFFFF  }
0xaa: {  	s28 =	simm.s32 $_size_execute0_lowered;
	s6 =	sadd.s32 s6, s8;
	[dreg:$0x0] =	wrdreg $0x0  }
0xab: {  	s8 =	sshll.u32 s28, $0x1;
	[dreg:$0x2] =	wrdreg s6  }
0xac: {  	[dreg:$0x3] =	wrdreg s8  }
0xad: {  	[dreg:$0x4] =	wrdreg $0xC0  }
0xae: {  	_ =	task [dreg:s10], $0x5FFFF  }
0xaf: {  	[dreg:$0x1] =	wrdreg $0xFFFFFFFF  }
0xb0: {  	[dreg:$0x0] =	wrdreg $0x60  }
0xb1: {  	[dreg:$0x2] =	wrdreg s2  }
0xb2: {  	[dreg:$0x3] =	wrdreg s18  }
0xb3: {  	[dreg:$0x4] =	wrdreg s4  }
0xb4: {  	[dreg:$0x5] =	wrdreg s5  }
0xb5: {  	[dreg:$0x6] =	wrdreg s24  }
0xb6: {  	[dreg:$0x7] =	wrdreg $0x9  }
0xb7: {  	_ =	task.clear_ibuf [dreg:s10], $0x8FFFF;
	_ =	strace $0x90000046  }
0xb8: {  	s29 =	simm.s32 $0x9;
	_ =	strace $0x80000048  }
0xb9: {  	_ =	swait.ge [sflag:s29], $0x1  }
0xba: {  	[sflag:s29] =	ssyncadd.s32 $0xFFFFFFFF  }
0xbb: {  	_ =	strace $0x90000048  }
0xbc: {  	_ =	sfence  }
0xbd: {  	s30 =	sld [smem:$0x0];
	_ =	sdelay $0x2  }
0xbe: {  	s31 =	sshll.u32 s1, $0xD;
	s1 =	sshrl.u32 s1, $0x2  }
0xbf: {  	s3 =	sand.u32 $0x4000, s31;
	s1 =	sadd.s32 s1, s30  }
0xc0: {  	s0 =	sor.u32 s3, s0;
	s1 =	sshll.u32 s1, $0x11  }
0xc1: {  	s0 =	sor.u32 s1, s0  }
0xc2: {  	s0 =	sadd.s32 $0x8F2B, s0  }
0xc3: {  	[sflag:s0] =	ssyncadd.remote.s32 $0x1  }
0xc4: {  	_ =	sfence.sel $0xFFFF  }
0xc5: {  	[dreg:$0x0] =	wrdreg $0xFFFFFFFF;
	(pc) =	sbr.abs _section_cstart, $3  }
0xc6: {  	[dreg:$0x1] =	wrdreg $0xFFFFFFFF  }
0xc7: {  	_ =	task.clear_ibuf [dreg:s10], $0x2FFFF;
	_ =	strace $0x9FFFFFFF  }
0xc8: {  	(tm) =	ssettm $0x7FFFFFFF  }
0xc9: {  	_ =	shalt  }
tec
execute0_lowered:
.L_overlay_start_1:
0x0: {  	(tag) =	ssettag $0x1  }
0x1: {  	s2 =	rddreg [dreg:$0x2]  }
0x2: {  	s5 =	rddreg [dreg:$0x3]  }
0x3: {  	s0 =	srdreg.scid;
	s1 =	rddreg [dreg:$0x4]  }
0x4: {  	s4 =	stileid.u32;
	s6 =	simm.s32 $0x0;
	s9 =	simm.s32 $0x1  }
0x5: {  	s28 =	simm.s32 $0x8000;
	s29 =	simm.s32 $0x1C280;
	s30 =	simm.s32 $0xC080  }
0x6: {  	s0 =	sand.u32 $0x1, s0;
	[smem:$0x7FF] =	sst s6;
	s7 =	sadd.s32 $0x800, s1  }
0x7: {  	s8 =	sadd.s32 $0x100800, s1;
	s1 =	sadd.s32 $0x200800, s1;
	s3 =	sshll.u32 s0, $0x4  }
0x8: {  	v0 =	vimm.s32 $0x0;
	_ =	strace $0x80000047;
	s0 =	ssub.s32 $0x2, s0;
	s3 =	sor.u32 s4, s3  }
0x9: {  	s4 =	sand.u32 $0x3, s4;
	(xrf1) =	vunique.msk.u32 $0xffff, v0;
	s21 =	sshrl.u32 s0, $0x1;
	p0 =	seq.s32 s3, $0x0  }
0xa: {  	p1 =	sne.s32 s4, $0x0;
	s10 =	sshrl.u32 s3, $0x2;
	s11 =	sshll.u32 s4, $0x14  }
0xb: {  	s0 =	ssub.s32 s0, s21;
	s22 =	sshll.u32 s3, $0x8;
	p0 =	por !p1, !p0  }
0xc: {  	s16 =	sshll.u32 s4, $0x16;
	s13 =	sshll.u32 s4, $0x4;
	p0 =	por !p0, !p0  }
0xd: {  	s21 =	simm.s32 $0x80;
	s0 =	smax.u32 s0, $0x1;
	s9 =	simm.s32 @!p0 $0x0  }
0xe: {  	s4 =	simm.s32 $0x14080;
	[dreg:$0x7] =	wrdreg s0;
	s14 =	ssub.s32 s10, s9  }
0xf: {  	s9 =	simm.s32 $0x1;
	s10 =	sshll.u32 s14, $0x13;
	s12 =	sshll.u32 s14, $0x7  }
0x10: {  	s23 =	sshll.u32 s14, $0x15;
	s17 =	sshll.u32 s14, $0xA;
	s14 =	sshll.u32 s14, $0x14  }
0x11: {  	s10 =	sand.u32 $0xFFC00000, s10;
	s15 =	sand.u32 $0x380, s12;
	s12 =	sadd.s32 s1, s22  }
0x12: {  	s24 =	sand.u32 $0x1FFFFC00, s17;
	s22 =	simm.s32 $0x400;
	s10 =	sor.u32 s10, s11  }
0x13: {  	s11 =	sshll.u32 s3, $0xF;
	s3 =	sand.u32 $0xFF000000, s23;
	s1 =	sadd.s32 s1, s24  }
0x14: {  	s23 =	simm.s32 $0x2;
	s24 =	simm.s32 $0x2000;
	s10 =	sor.u32 s15, s10  }
0x15: {  	s3 =	sor.u32 s3, s16;
	s25 =	sadd.s32 $0x100, s1;
	[dreg:$0x6] =	wrdreg s1  }
0x16: {  	s26 =	sadd.s32 $0x200, s1;
	s31 =	sadd.s32 $0x300, s1;
	[dreg:$0x8] =	wrdreg s25  }
0x17: {  	s1 =	simm.s32 $0x0;
	s15 =	sor.u32 s15, s3;
	[dreg:$0x9] =	wrdreg s26;
	_, v1, _ =	vpop (xrf1)  }
0x18: {  	v2 =	vimm.f32 $-1.000000000e+00;
	v3 =	vlaneseq.u32;
	[dreg:$0xa] =	wrdreg s31;
	s25 =	simm.s32 $0xC000;
	s26 =	simm.s32 $0x4000;
	v1 =	vbroadcast v1, $0x0  }
.LBB2_1:
0x19: {  	[dreg:$0xb] =	wrdreg s1;
	s3 =	simm.s32 $0x0  }
.LBB2_2:
0x1a: {  	s0 =	sshll.u32 s3, $0x10  }
0x1b: {  	s0 =	sadd.s32 s10, s0  }
0x1c: {  	s1 =	rddreg [dreg:$0x1];
	s0 =	sshrl.u32 s0, $0x3  }
0x1d: {  	s16 =	simm.s32 $0x0;
	s1 =	sadd.s32 s1, s0  }
0x1e: {  	[tilespmem:s16], [sflag:$0x2] =	stream.strided.gather [hbm4b:s1+s21], $0x2000, s22, s21, $0x38;
	[tilespmem:$0x1E280] =	vst v63  }
0x1f: {  	_ =	swait.ge [sflag:s23], $0x2000  }
0x20: {  	[sflag:s23] =	ssyncset.done $0x0  }
0x21: {  	s0 =	sadd.s32 s2, s0;
	[sflag:s23] =	ssyncadd.s32 $0xFFFFE000  }
0x22: {  	[tilespmem:s24], [sflag:$0x2] =	stream.strided.gather [hbm4b:s0+s21], $0x2000, s22, s21, $0x38;
	[tilespmem:$0x1E280] =	vst v63  }
0x23: {  	_ =	swait.ge [sflag:s23], $0x2000  }
0x24: {  	[sflag:s23] =	ssyncset.done $0x0  }
0x25: {  	[sflag:s23] =	ssyncadd.s32 $0xFFFFE000  }
0x26: {  	[tilespmem:$0xC000] =	vst v0  }
0x27: {  	[tilespmem:$0xC010] =	vst v0  }
0x28: {  	[tilespmem:$0xC020] =	vst v0  }
0x29: {  	s31 =	simm.s32 $0x0;
	[tilespmem:$0xC030] =	vst v0  }
0x2a: {  	v5 =	vld [tilespmem:s31+$0x0]  }
0x2b: {  	s16 =	simm.s32 $0x40;
	v4 =	vld [tilespmem:s31+$0x2000]  }
.LBB2_3:
0x2c: {  	p0 =	sne.s32 s16, $0x7FC0;
	_ =	sdelay $0x2  }
0x2d: {  	v6 =	vshrl.u32 v5, $0xF  }
0x2e: {  	(xrf1) =	vunique.msk.u32 $0xffff, v6;
	_ =	sdelay $0x9  }
0x2f: {  	v7 =	vld.idx.msk [tilespmem:v6+s25+$0x0], $0xffff;
	_ =	sdelay $0x3  }
0x30: {  	_, v8, vm0 =	vpop (xrf1)  }
0x31: {  	v8 =	vsub.s32 v8, v1  }
0x32: {  	v7 =	vadd.s32 v7, v8  }
0x33: {  	vm1 =	vlt.s32 v7, $0xBF;
	v8 =	vadd.s32 $0x1, v7  }
0x34: {  	v7 =	vnsel vm1, $0xBF, v7  }
0x35: {  	v9 =	vshrl.u32 v5, $0x7;
	v10 =	vshll.u32 v7, $0x3  }
0x36: {  	v11 =	vshrl.u32 v5, $0x8;
	v9 =	vand.u32 $0x1FFF800, v9;
	v10 =	vand.u32 $0xFFFFFC00, v10  }
0x37: {  	v9 =	vadd.s32 v9, v10;
	v10 =	vand.u32 $0x380, v11  }
0x38: {  	v7 =	vand.u32 $0x7F, v7;
	v9 =	vor.u32 v10, v9  }
0x39: {  	v7 =	vor.u32 v7, v9;
	_ =	sdelay $0x3  }
0x3a: {  	v5 =	vand.u32 $0x7FFF, v5  }
.Ltmp0:
0x3b: {  	vm1 =	vlt.s32 v8, $0xC0;
	[tilespmem:v7+s26+$0x0] =	vst.idx.msk $0xffff, v5;
	(pc) =	sbr.rel @p0 .LBB2_3-.Ltmp0, $4  }
0x3c: {  	[tilespmem:v7+s28+$0x0] =	vst.idx.msk $0xffff, v4;
	v4 =	vnsel vm1, $0xC0, v8  }
0x3d: {  	s0 =	sshra.s32 s16, $0x2;
	[tilespmem:v6+s25+$0x0] =	vst.idx.msk vm0, v4  }
0x3e: {  	v5 =	vld [tilespmem:s0+$0x0]  }
0x3f: {  	s16 =	sadd.s32 $0x40, s16;
	v4 =	vld [tilespmem:s0+$0x2000]  }
0x40: {  	_ =	sdelay $0x2  }
0x41: {  	v6 =	vshrl.u32 v5, $0xF  }
0x42: {  	(xrf1) =	vunique.msk.u32 $0xffff, v6;
	_ =	sdelay $0xa  }
0x43: {  	v7 =	vld.idx.msk [tilespmem:v6+s25+$0x0], $0xffff;
	_ =	sdelay $0x2  }
0x44: {  	_, v8, vm0 =	vpop (xrf1)  }
0x45: {  	v8 =	vsub.s32 v8, v1  }
0x46: {  	v7 =	vadd.s32 v7, v8  }
0x47: {  	vm1 =	vlt.s32 v7, $0xBF  }
0x48: {  	v8 =	vnsel vm1, $0xBF, v7  }
0x49: {  	v9 =	vshrl.u32 v5, $0x7;
	v10 =	vshll.u32 v8, $0x3  }
0x4a: {  	v11 =	vshrl.u32 v5, $0x8;
	v9 =	vand.u32 $0x1FFF800, v9;
	v10 =	vand.u32 $0xFFFFFC00, v10  }
0x4b: {  	v63 =	vand.u32 $0x380, v11;
	v9 =	vadd.s32 v9, v10  }
0x4c: {  	v8 =	vand.u32 $0x7F, v8;
	v9 =	vor.u32 v63, v9  }
0x4d: {  	v8 =	vor.u32 v8, v9;
	_ =	sdelay $0x3  }
0x4e: {  	v5 =	vand.u32 $0x7FFF, v5;
	v7 =	vadd.s32 $0x1, v7  }
0x4f: {  	s0 =	sshll.u32 s3, $0xB;
	vm15 =	vlt.s32 v7, $0xC0;
	[tilespmem:v8+s26+$0x0] =	vst.idx.msk $0xffff, v5  }
0x50: {  	s0 =	sadd.s32 s11, s0;
	[tilespmem:v8+s28+$0x0] =	vst.idx.msk $0xffff, v4;
	v4 =	vnsel vm15, $0xC0, v7  }
0x51: {  	s1 =	sadd.s32 s7, s0;
	[tilespmem:v6+s25+$0x0] =	vst.idx.msk vm0, v4  }
0x52: {  	[hbm4b:s1+s6] =	stream.linear.scatter [tilespmem:s26], [sflag:$0x2], $0x4000, $0x38;
	[tilespmem:$0x1E280] =	vst v63  }
0x53: {  	_ =	swait.ge [sflag:s23], $0x4000  }
0x54: {  	[sflag:s23] =	ssyncset.done $0x0  }
0x55: {  	s0 =	sadd.s32 s8, s0;
	[sflag:s23] =	ssyncadd.s32 $0xFFFFC000  }
0x56: {  	[hbm4b:s0+s6] =	stream.linear.scatter [tilespmem:s28], [sflag:$0x2], $0x4000, $0x38;
	[tilespmem:$0x1E280] =	vst v63  }
0x57: {  	s31 =	sshll.u32 s3, $0x4;
	s3 =	sadd.s32 $0x1, s3;
	_ =	swait.ge [sflag:s23], $0x4000  }
0x58: {  	p0 =	sne.s32 s3, $0x10;
	[sflag:s23] =	ssyncset.done $0x0  }
.Ltmp1:
0x59: {  	s0 =	sadd.s32 s31, s12;
	[sflag:s23] =	ssyncadd.s32 $0xFFFFC000;
	(pc) =	sbr.rel @p0 .LBB2_2-.Ltmp1, $4  }
0x5a: {  	[hbm4b:s0+s6] =	stream.linear.scatter [tilespmem:s25], [sflag:$0x2], $0x80, $0x38;
	[tilespmem:$0x1E280] =	vst v63  }
0x5b: {  	_ =	swait.ge [sflag:s23], $0x80  }
0x5c: {  	[sflag:s23] =	ssyncset.done $0x0  }
0x5d: {  	[sflag:s23] =	ssyncadd.s32 $0xFFFFFF80  }
0x5e: {  	[bflag:$0x0] =	sbarrier.arrive $0xFFFF  }
0x5f: {  	s3 =	simm.s32 $0x0;
	s0 =	rddreg [dreg:$0x6]  }
0x60: {  	[tilespmem:s29], [sflag:$0x2] =	stream.linear.gather [hbm4b:s0+s3], $0x800, $0x38;
	[tilespmem:$0x1E280] =	vst v63  }
0x61: {  	_ =	swait.ge [sflag:s23], $0x800  }
0x62: {  	[sflag:s23] =	ssyncset.done $0x0  }
0x63: {  	s1 =	simm.s32 $0x1CA80;
	s17 =	rddreg [dreg:$0x8];
	[sflag:s23] =	ssyncadd.s32 $0xFFFFF800  }
0x64: {  	[tilespmem:s1], [sflag:$0x2] =	stream.linear.gather [hbm4b:s17+s3], $0x800, $0x38;
	[tilespmem:$0x1E280] =	vst v63  }
0x65: {  	_ =	swait.ge [sflag:s23], $0x800  }
0x66: {  	[sflag:s23] =	ssyncset.done $0x0  }
0x67: {  	s19 =	simm.s32 $0x1D280;
	s18 =	rddreg [dreg:$0x9];
	[sflag:s23] =	ssyncadd.s32 $0xFFFFF800  }
0x68: {  	[tilespmem:s19], [sflag:$0x2] =	stream.linear.gather [hbm4b:s18+s3], $0x800, $0x38;
	[tilespmem:$0x1E280] =	vst v63  }
0x69: {  	_ =	swait.ge [sflag:s23], $0x800  }
0x6a: {  	[sflag:s23] =	ssyncset.done $0x0  }
0x6b: {  	s31 =	simm.s32 $0x1DA80;
	s20 =	rddreg [dreg:$0xa];
	[sflag:s23] =	ssyncadd.s32 $0xFFFFF800  }
0x6c: {  	[tilespmem:s31], [sflag:$0x2] =	stream.linear.gather [hbm4b:s20+s3], $0x800, $0x38;
	[tilespmem:$0x1E280] =	vst v63  }
0x6d: {  	_ =	swait.ge [sflag:s23], $0x800  }
0x6e: {  	[sflag:s23] =	ssyncset.done $0x0  }
0x6f: {  	[sflag:s23] =	ssyncadd.s32 $0xFFFFF800  }
.LBB2_6:
0x70: {  	s0 =	simm.s32 $0x40;
	s1 =	simm.s32 $0x0  }
.LBB2_7:
0x71: {  	p0 =	seq.s32 s0, $0x1FFC0;
	[tilespmem:s1+$0x14080] =	vst v2;
	s1 =	smov.u32 s0;
	s0 =	sadd.s32 $0x40, s0  }
.Ltmp2:
0x72: {  	(pc) =	sbr.rel @!p0 .LBB2_7-.Ltmp2, $2  }
0x73: {  	_ =	sdelay $0x2  }
0x74: {  	s1 =	sshra.s32 s1, $0x2  }
0x75: {  	s0 =	sadd.s32 s13, s3  }
0x76: {  	s31 =	sshll.u32 s0, $0x8  }
0x77: {  	[tilespmem:s1+$0x14080] =	vst v2;
	s16 =	sshll.u32 s3, $0x7;
	s1 =	sand.u32 $0x3800, s31  }
0x78: {  	s16 =	sand.u32 $0x380, s16;
	v4 =	vmov s0;
	s1 =	sor.u32 s1, s14  }
0x79: {  	s18 =	simm.s32 $0x0;
	v4 =	vand.u32 $0x7F, v4;
	s17 =	sor.u32 s16, s1  }
.LBB2_9:
0x7a: {  	s0 =	sshll.u32 s18, $0x12;
	s1 =	sshll.u32 s18, $0xB  }
0x7b: {  	s20 =	simm.s32 $0x0;
	s19 =	sadd.s32 s17, s0;
	v5 =	vor.u32 s1, v4  }
.LBB2_10:
0x7c: {  	s0 =	sshll.u32 s20, $0xE  }
0x7d: {  	s0 =	sadd.s32 s19, s0  }
0x7e: {  	s0 =	sshrl.u32 s0, $0x3  }
0x7f: {  	s31 =	simm.s32 $0x1C080;
	s1 =	sadd.s32 s7, s0  }
0x80: {  	[tilespmem:s31], [sflag:$0x1] =	stream.strided.gather [hbm4b:s1+s21], $0x100, s22, s21, $0x38;
	[tilespmem:$0x1E280] =	vst v63  }
0x81: {  	s16 =	simm.s32 $0x1C180;
	s0 =	sadd.s32 s8, s0;
	s1 =	sshll.u32 s20, $0x7  }
0x82: {  	v6 =	vadd.s32 s1, v5;
	[tilespmem:s16], [sflag:$0x1] =	stream.strided.gather [hbm4b:s0+s21], $0x100, s22, s21, $0x38;
	[tilespmem:$0x1E280] =	vst v63  }
0x83: {  	v6 =	vbroadcast v6, $0x0;
	_ =	swait.ge [sflag:s9], $0x100  }
0x84: {  	[sflag:s9] =	ssyncset.done $0x0  }
0x85: {  	[sflag:s9] =	ssyncadd.s32 $0xFFFFFF00  }
0x86: {  	_ =	swait.ge [sflag:s9], $0x100  }
0x87: {  	[sflag:s9] =	ssyncset.done $0x0  }
0x88: {  	[sflag:s9] =	ssyncadd.s32 $0xFFFFFF00  }
0x89: {  	v6 =	vld.idx.msk [tilespmem:v6+s29+$0x0], $0xffff  }
0x8a: {  	v7 =	vld [tilespmem:s31+$0x0];
	_ =	sdelay $0x2  }
0x8b: {  	s1 =	simm.s32 $0x0  }
0x8c: {  	v8 =	vor.u32 s1, v3  }
0x8d: {  	vm0 =	vlt.s32 v8, v6;
	v7 =	vand.u32 $0x7FFF, v7  }
0x8e: {  	(xrf1) =	vunique.msk.u32 vm0, v7;
	_ =	sdelay $0xd  }
0x8f: {  	_, v8, vm1 =	vpop (xrf1)  }
0x90: {  	vm0 =	vmand vm0, vm1  }
0x91: {  	v8 =	vld [tilespmem:s16+$0x0];
	_ =	sdelay $0x4  }
0x92: {  	s31 =	simm.s32 $0x1C090;
	[tilespmem:v7+s4+$0x0] =	vst.idx.msk vm0, v8  }
0x93: {  	s0 =	simm.s32 $0x10;
	s1 =	simm.s32 $0x20;
	v7 =	vld [tilespmem:s31+$0x0]  }
.LBB2_11:
0x94: {  	p0 =	sne.s32 s1, $0xB0;
	_ =	sdelay $0x2  }
0x95: {  	v8 =	vor.u32 s0, v3;
	s0 =	smov.u32 s1  }
0x96: {  	vm0 =	vlt.s32 v8, v6;
	v7 =	vand.u32 $0x7FFF, v7  }
0x97: {  	(xrf1) =	vunique.msk.u32 vm0, v7;
	_ =	sdelay $0xd  }
0x98: {  	_, v8, vm1 =	vpop (xrf1)  }
0x99: {  	s16 =	sadd.s32 $0x10, s16;
	vm0 =	vmand vm0, vm1  }
0x9a: {  	v8 =	vld [tilespmem:s16+$0x0];
	_ =	sdelay $0x1  }
.Ltmp3:
0x9b: {  	(pc) =	sbr.rel @p0 .LBB2_11-.Ltmp3, $3  }
0x9c: {  	_ =	sdelay $0x1  }
0x9d: {  	s31 =	sadd.s32 $0x10, s31;
	[tilespmem:v7+s4+$0x0] =	vst.idx.msk vm0, v8  }
0x9e: {  	s1 =	sadd.s32 $0x10, s1;
	v7 =	vld [tilespmem:s31+$0x0]  }
0x9f: {  	_ =	sdelay $0x2  }
0xa0: {  	v8 =	vor.u32 s0, v3  }
0xa1: {  	vm0 =	vlt.s32 v8, v6;
	v6 =	vand.u32 $0x7FFF, v7  }
0xa2: {  	(xrf1) =	vunique.msk.u32 vm0, v6;
	_ =	sdelay $0xd  }
0xa3: {  	_, v7, vm1 =	vpop (xrf1)  }
0xa4: {  	s31 =	sadd.s32 $0x10, s16;
	s20 =	sadd.s32 $0x1, s20;
	vm0 =	vmand vm0, vm1  }
0xa5: {  	p0 =	sne.s32 s20, $0x10;
	v7 =	vld [tilespmem:s31+$0x0]  }
.Ltmp4:
0xa6: {  	_ = 	snop;
	(pc) =	sbr.rel @p0 .LBB2_10-.Ltmp4, $2  }
0xa7: {  	_ =	sdelay $0x2  }
0xa8: {  	[tilespmem:v6+s4+$0x0] =	vst.idx.msk vm0, v7  }
0xa9: {  	s18 =	sadd.s32 $0x1, s18  }
0xaa: {  	p0 =	sne.s32 s18, $0x4  }
.Ltmp5:
0xab: {  	_ = 	snop;
	(pc) =	sbr.rel @p0 .LBB2_9-.Ltmp5, $1  }
0xac: {  	_ =	sdelay $0x3  }
0xad: {  	s0 =	sshll.u32 s3, $0x12  }
0xae: {  	s0 =	sadd.s32 s15, s0  }
0xaf: {  	s1 =	rddreg [dreg:$0x0];
	s0 =	sshrl.u32 s0, $0x3  }
0xb0: {  	s1 =	sadd.s32 s1, s0  }
0xb1: {  	[tilespmem:s30], [sflag:$0x2] =	stream.strided.gather [hbm4b:s1+s21], $0x8000, s22, s21, $0x38;
	[tilespmem:$0x1E280] =	vst v63  }
0xb2: {  	_ =	swait.ge [sflag:s23], $0x8000  }
0xb3: {  	[sflag:s23] =	ssyncset.done $0x0  }
0xb4: {  	s16 =	simm.s32 $0x40;
	s1 =	simm.s32 $0x0;
	[sflag:s23] =	ssyncadd.s32 $0xFFFF8000  }
.LBB2_15:
0xb5: {  	p0 =	sne.s32 s16, $0x1FFC0;
	v4 =	vld [tilespmem:s1+$0xC080];
	_ =	sdelay $0x1  }
0xb6: {  	v5 =	vld [tilespmem:s1+$0x14080];
	_ =	sdelay $0x2  }
.Ltmp6:
0xb7: {  	v6 =	vmul.f32 $9.499999880e-01, v4;
	(pc) =	sbr.rel @p0 .LBB2_15-.Ltmp6, $4  }
0xb8: {  	_ = 	snop  }
0xb9: {  	vm0 =	vlt.f32 v4, $0.0e+00;
	v5 =	vmax.f32 v6, v5  }
0xba: {  	v4 =	vsel vm0, v4, v5  }
0xbb: {  	[tilespmem:s1+$0xC080] =	vst v4;
	s1 =	sshra.s32 s16, $0x2;
	s16 =	sadd.s32 $0x40, s16  }
0xbc: {  	v4 =	vld [tilespmem:s1+$0xC080];
	_ =	sdelay $0x1  }
0xbd: {  	v5 =	vld [tilespmem:s1+$0x14080];
	_ =	sdelay $0x2  }
0xbe: {  	v6 =	vmul.f32 $9.499999880e-01, v4;
	_ =	sdelay $0x1  }
0xbf: {  	s3 =	sadd.s32 $0x1, s3;
	vm0 =	vlt.f32 v4, $0.0e+00;
	v5 =	vmax.f32 v6, v5  }
0xc0: {  	p0 =	sne.s32 s3, $0x10;
	v4 =	vsel vm0, v4, v5  }
.Ltmp7:
0xc1: {  	s0 =	sadd.s32 s5, s0;
	[tilespmem:s1+$0xC080] =	vst v4;
	(pc) =	sbr.rel @p0 .LBB2_6-.Ltmp7, $4  }
0xc2: {  	[hbm4b:s0+s21] =	stream.strided.scatter [tilespmem:s30], [sflag:$0x2], $0x8000, s22, s21, $0x38;
	[tilespmem:$0x1E280] =	vst v63  }
0xc3: {  	_ =	swait.ge [sflag:s23], $0x8000  }
0xc4: {  	[sflag:s23] =	ssyncset.done $0x0  }
0xc5: {  	[sflag:s23] =	ssyncadd.s32 $0xFFFF8000  }
0xc6: {  	s1 =	rddreg [dreg:$0xb]  }
0xc7: {  	s0 =	rddreg [dreg:$0x7];
	s1 =	sadd.s32 $0x1, s1  }
0xc8: {  	p0 =	sne.s32 s1, s0  }
.Ltmp8:
0xc9: {  	_ = 	snop;
	(pc) =	sbr.rel @p0 .LBB2_1-.Ltmp8, $1  }
0xca: {  	_ =	sdelay $0x3  }
0xcb: {  	_ =	sfence.sel $0x180000  }
0xcc: {  	[bflag:$0x0] =	sbarrier.arrive $0xFFFF  }
0xcd: {  	_ =	strace $0x90000047  }
0xce: {  	s0 =	stileid.u32;
	[bflag:$0x2] =	sbarrier.arrive $0xFFFF  }
0xcf: {  	p0 =	sne.s32 s0, $0x0;
	s0 =	rddreg [dreg:$0x5]  }
0xd0: {  	s0 =	sadd.s32 @!p0 $0x100000, s0  }
0xd1: {  	[sflag:s0] =	ssyncadd.tile.s32 @!p0 $0x1;
	_ =	shalt  }
.Lfunc_end2:
_tile_overlayer_lowered:
.L_overlay_start_2:
0xd2: {  	(tag) =	ssettag $0x2  }
0xd3: {  	s0 =	rddreg [dreg:$0x0];
	s2 =	stileid.u32  }
0xd4: {  	s1 =	rddreg [dreg:$0x1];
	p0 =	sne.s32 s2, $0x0  }
0xd5: {  	s3 =	rddreg [dreg:$0x2];
	[bflag:$0x3] =	sbarrier.arrive $0xFFFF;
	s2 =	simm.s32 @!p0 $0x1C02  }
0xd6: {  	[timem:s3], [sflag:s2] =	dma.local @!p0 [hbm:s0], s1  }
0xd7: {  	s0 =	simm.s32 @!p0 $0x2  }
0xd8: {  	_ =	swait.ge @!p0 [sflag:s0], s1  }
0xd9: {  	s1 =	ssub.s32 @!p0 $0x0, s1;
	[sflag:s0] =	ssyncset.done @!p0 $0x0  }
0xda: {  	[sflag:s0] =	ssyncadd.s32 @!p0 s1  }
0xdb: {  	[bflag:$0x3] =	sbarrier.arrive $0xFFFF  }
0xdc: {  	_ =	shalt  }

</sc_bundles>
